<compile_context>
chip_gen: v7x
topology: tpu7x:2x2x1
jax: 0.10.2.dev20260603
libtpu: 0.0.44.dev20260713+nightly
codegen_flags: <defaults>
</compile_context>

<pallas_src>
import functools

import jax
import jax.numpy as jnp
from jax import lax
from jax.experimental import pallas as pl
from jax.experimental.pallas import tpu as pltpu
from jax.experimental.pallas import tpu_sc as plsc

_NC = 2
_NS = 16
_NW = _NC * _NS
_K = 128
_NBUF = 4
_RB = 1000


def _sc_mesh():
    return plsc.VectorSubcoreMesh(core_axis_name="c", subcore_axis_name="s",
                                  num_cores=_NC, num_subcores=_NS)


@functools.lru_cache(maxsize=None)
def _make_agg_kernel(n_pad, e_pad, hw):
    npt = n_pad // _NS
    epw = e_pad // _NW
    nch = epw // _K
    assert npt * _NS == n_pad and npt % 8 == 0
    assert epw * _NW == e_pad and nch * _K == epw

    @functools.partial(
        pl.kernel,
        out_type=jax.ShapeDtypeStruct((_NC * n_pad, hw), jnp.float32),
        mesh=_sc_mesh(),
        scratch_types=(
            [pltpu.VMEM((_K,), jnp.int32),
             pltpu.VMEM((_K,), jnp.int32),
             pltpu.VMEM((_K, hw), jnp.float32),
             pltpu.VMEM_SHARED((n_pad, hw), jnp.float32),
             pltpu.SemaphoreType.DMA,
             pltpu.SemaphoreType.DMA]
        ),
    )
    def agg_kernel(hp_hbm, src_hbm, dst_hbm, zeros_hbm, out_hbm,
                   sidx, didx, rbuf, acc_sh, gsem, dsem):
        cid = lax.axis_index("c")
        sid = lax.axis_index("s")
        w = cid * _NS + sid
        rbase = sid * npt
        pltpu.sync_copy(zeros_hbm.at[pl.ds(rbase, npt)],
                        acc_sh.at[pl.ds(rbase, npt)])
        plsc.subcore_barrier()

        @pl.loop(0, nch)
        def _(j):
            pltpu.sync_copy(src_hbm.at[pl.ds(w * epw + j * _K, _K)], sidx)
            pltpu.sync_copy(dst_hbm.at[pl.ds(w * epw + j * _K, _K)], didx)
            pltpu.async_copy(hp_hbm.at[sidx], rbuf, gsem).wait()
            pltpu.sync_copy(rbuf, acc_sh.at[didx], add=True)
        plsc.subcore_barrier()
        pltpu.sync_copy(acc_sh.at[pl.ds(rbase, npt)],
                        out_hbm.at[pl.ds(cid * n_pad + rbase, npt)])

    return agg_kernel


def _tc1_body(dp0_ref, dp1_ref, x_ref, w_ref, dinv_ref, hp_ref):
    indeg = dp0_ref[:, 0:1] + dp1_ref[:, 0:1]
    dinv = lax.rsqrt(indeg + 1.0)
    dinv_ref[...] = dinv
    hp = dinv * jnp.dot(x_ref[...], w_ref[...],
                        preferred_element_type=jnp.float32)
    hp_ref[...] = jnp.pad(hp, ((0, 0), (0, hp_ref.shape[1] - hp.shape[1])))


def _tc_mid_body(a0_ref, a1_ref, hp_ref, dinv_ref, b_ref, w_ref, out_ref):
    dinv = dinv_ref[...]
    h = w_ref.shape[0]
    z = dinv * (a0_ref[:, :h] + a1_ref[:, :h] + hp_ref[:, :h]) + b_ref[...]
    hrelu = jnp.maximum(z, 0.0)
    hp = dinv * jnp.dot(hrelu, w_ref[...],
                        preferred_element_type=jnp.float32)
    out_ref[...] = jnp.pad(hp, ((0, 0), (0, out_ref.shape[1] - hp.shape[1])))


def _tc_final_body(a0_ref, a1_ref, hp_ref, dinv_ref, b_ref, batch_ref,
                   wl_ref, bl_ref, out_ref, sums, counts):
    i = pl.program_id(0)
    nsteps = pl.num_programs(0)

    @pl.when(i == 0)
    def _():
        sums[...] = jnp.zeros_like(sums)
        counts[...] = jnp.zeros_like(counts)

    h = b_ref.shape[1]
    z = dinv_ref[...] * (a0_ref[:, :h] + a1_ref[:, :h] + hp_ref[:, :h]) + b_ref[...]
    seg = lax.broadcasted_iota(jnp.int32, (1, sums.shape[0]), 1)
    m = (batch_ref[...] == seg).astype(jnp.float32)
    dn = (((0,), (0,)), ((), ()))
    sums[...] += lax.dot_general(m, z, dn,
                                 preferred_element_type=jnp.float32)
    ones_col = jnp.ones((z.shape[0], 1), jnp.float32)
    counts[...] += lax.dot_general(m, ones_col, dn,
                                   preferred_element_type=jnp.float32)

    @pl.when(i == nsteps - 1)
    def _():
        pooled = sums[...] / jnp.maximum(counts[...], 1.0)
        out_ref[...] = jnp.dot(pooled, wl_ref[...],
                               preferred_element_type=jnp.float32) + bl_ref[...]


def kernel(x, edge_index, batch, W1, b1, W2, b2, W3, b3, Wl, bl):
    n, f_in = x.shape
    e = edge_index.shape[1]
    h = W1.shape[1]
    num_graphs = 64

    src = edge_index[0].astype(jnp.int32)
    dst = edge_index[1].astype(jnp.int32)
    batch2d = batch.astype(jnp.int32).reshape(n, 1)

    n_pad = ((n + _NS * 8 - 1) // (_NS * 8)) * (_NS * 8)
    hw = 128

    epw = -(-e // _NW)
    nch = -(-epw // _K)
    e_pad = _NW * nch * _K
    if e_pad > e and n_pad == n:
        n_pad += _NS * 8
    pad = e_pad - e
    pad_ar = jnp.arange(pad, dtype=jnp.int32)
    src_p = jnp.concatenate([src, pad_ar % jnp.int32(n)])
    dst_p = jnp.concatenate([dst, n + pad_ar % jnp.int32(max(n_pad - n, 1))])

    zeros_hw = jnp.zeros((n_pad, hw), jnp.float32)
    ones_n = jnp.ones((n, hw), jnp.float32)

    agg_fn = _make_agg_kernel(n_pad, e_pad, hw)

    degp = agg_fn(ones_n, src_p, dst_p, zeros_hw)
    dp0, dp1 = degp[:n], degp[n_pad:n_pad + n]

    grid = (n // _RB,)
    rb_spec8 = pl.BlockSpec((_RB, hw), lambda i: (i, 0))
    rb_spec1 = pl.BlockSpec((_RB, 1), lambda i: (i, 0))
    rb_spechw = pl.BlockSpec((_RB, hw), lambda i: (i, 0))
    full = lambda s: pl.BlockSpec(s, lambda i: tuple(0 for _ in s))

    dinv, hp1 = pl.pallas_call(
        _tc1_body,
        grid=grid,
        in_specs=[rb_spec8, rb_spec8,
                  pl.BlockSpec((_RB, f_in), lambda i: (i, 0)),
                  full((f_in, h))],
        out_specs=[rb_spec1, rb_spechw],
        out_shape=[jax.ShapeDtypeStruct((n, 1), jnp.float32),
                   jax.ShapeDtypeStruct((n, hw), jnp.float32)],
    )(dp0, dp1, x, W1)

    def mid_layer(hp, bias, w_next):
        ap = agg_fn(hp, src_p, dst_p, zeros_hw)
        return pl.pallas_call(
            _tc_mid_body,
            grid=grid,
            in_specs=[rb_spechw, rb_spechw, rb_spechw, rb_spec1,
                      full((1, h)), full((h, h))],
            out_specs=rb_spechw,
            out_shape=jax.ShapeDtypeStruct((n, hw), jnp.float32),
        )(ap[:n], ap[n_pad:n_pad + n], hp, dinv, bias.reshape(1, h), w_next)

    hp2 = mid_layer(hp1, b1, W2)
    hp3 = mid_layer(hp2, b2, W3)

    ap3 = agg_fn(hp3, src_p, dst_p, zeros_hw)
    out = pl.pallas_call(
        _tc_final_body,
        grid=grid,
        in_specs=[rb_spechw, rb_spechw, rb_spechw, rb_spec1,
                  full((1, h)),
                  pl.BlockSpec((_RB, 1), lambda i: (i, 0)),
                  full((h, 1)), full((1, 1))],
        out_specs=pl.BlockSpec((num_graphs, 1), lambda i: (0, 0)),
        out_shape=jax.ShapeDtypeStruct((num_graphs, 1), jnp.float32),
        scratch_shapes=[pltpu.VMEM((num_graphs, h), jnp.float32),
                        pltpu.VMEM((num_graphs, 1), jnp.float32)],
    )(ap3[:n], ap3[n_pad:n_pad + n], hp3, dinv, b3.reshape(1, h), batch2d,
      Wl, bl.reshape(1, 1))
    return out

# --- scband reference (transcript-rebuilt; emitter-appended) ---
"""Pipeline reference for scband-gcn-38104949850570 (READ-ONLY COPY).

The authoritative reference and input builder live on the scoring server;
editing this copy changes nothing except your own understanding.
"""

import jax, jax.numpy as jnp
import numpy as np

N = 10000
E = 320000
F_IN = 128
H = 64
B = 64


def setup_inputs(seed: int = 0) -> dict:
    key = jax.random.key(seed)
    ks = jax.random.split(key, 12)
    x = jax.random.normal(ks[0], (N, F_IN), dtype=jnp.float32)
    edge_index = jax.random.randint(ks[1], (2, E), 0, N)
    batch = jnp.sort(jax.random.randint(ks[2], (N,), 0, B))
    def glorot(k, fan_in, fan_out):
        lim = float(np.sqrt(6.0 / (fan_in + fan_out)))
        return jax.random.uniform(k, (fan_in, fan_out), dtype=jnp.float32, minval=-lim, maxval=lim)
    W1 = glorot(ks[3], F_IN, H)
    b1 = jnp.zeros((H,), dtype=jnp.float32)
    W2 = glorot(ks[4], H, H)
    b2 = jnp.zeros((H,), dtype=jnp.float32)
    W3 = glorot(ks[5], H, H)
    b3 = jnp.zeros((H,), dtype=jnp.float32)
    Wl = glorot(ks[6], H, 1)
    bl = jnp.zeros((1,), dtype=jnp.float32)
    return {"x": x, "edge_index": edge_index, "batch": batch,
            "W1": W1, "b1": b1, "W2": W2, "b2": b2, "W3": W3, "b3": b3,
            "Wl": Wl, "bl": bl}


def _gcn_conv(x, W, b, src, dst):
    # PyG-style GCNConv: add self-loops, symmetric normalization, linear, scatter-add, bias
    n = x.shape[0]
    loop = jnp.arange(n, dtype=src.dtype)
    s = jnp.concatenate([src, loop])
    d = jnp.concatenate([dst, loop])
    deg = jnp.zeros((n,), x.dtype).at[d].add(1.0)
    dinv = jnp.where(deg > 0, 1.0 / jnp.sqrt(deg), 0.0)
    norm = dinv[s] * dinv[d]
    h = x @ W
    msg = norm[:, None] * h[s]
    out = jnp.zeros((n, W.shape[1]), x.dtype).at[d].add(msg)
    return out + b


def reference(x, edge_index, batch, W1, b1, W2, b2, W3, b3, Wl, bl):
    src = edge_index[0]
    dst = edge_index[1]
    # layer 1 (dropout is identity in eval mode, norm=None -> Identity)
    h = _gcn_conv(x, W1, b1, src, dst)
    h = jax.nn.relu(h)
    # layer 2
    h = _gcn_conv(h, W2, b2, src, dst)
    h = jax.nn.relu(h)
    # layer 3 (no relu after last conv)
    h = _gcn_conv(h, W3, b3, src, dst)
    # global_mean_pool over batch segment ids
    sums = jax.ops.segment_sum(h, batch, num_segments=B)
    cnts = jax.ops.segment_sum(jnp.ones((h.shape[0],), h.dtype), batch, num_segments=B)
    pooled = sums / jnp.maximum(cnts, 1.0)[:, None]
    return pooled @ Wl + bl

if __name__ == "__main__":
    import jax
    _d = setup_inputs()
    print(jax.jit(kernel)(*tuple(_d.values())))

</pallas_src>

<mosaic_0001>
#map = affine_map<(d0, d1) -> (0, 0)>
#map1 = affine_map<(d0, d1) -> (0)>
module attributes {stable_mosaic.version = 14 : i64} {
  func.func @agg_kernel(%arg0: i32, %arg1: i32, %arg2: memref<10000x128xf32, #tpu.memory_space<hbm>>, %arg3: memref<323584xi32, #tpu.memory_space<hbm>>, %arg4: memref<323584xi32, #tpu.memory_space<hbm>>, %arg5: memref<10112x128xf32, #tpu.memory_space<hbm>>, %arg6: memref<20224x128xf32, #tpu.memory_space<hbm>>, %arg7: memref<128xi32, #tpu.memory_space<vmem>>, %arg8: memref<128xi32, #tpu.memory_space<vmem>>, %arg9: memref<128x128xf32, #tpu.memory_space<vmem>>, %arg10: memref<10112x128xf32, #tpu.memory_space<vmem_shared>>, %arg11: memref<!tpu.dma_semaphore, #tpu.memory_space<semaphore_mem>>, %arg12: memref<!tpu.dma_semaphore, #tpu.memory_space<semaphore_mem>>) attributes {dimension_semantics = [#tpu.dimension_semantics<core_parallel>, #tpu.dimension_semantics<subcore_parallel>], iteration_bounds = array<i64: 2, 16>, scalar_prefetch = 0 : i64, scratch_operands = 6 : i64, tpu.core_type = #tpu.core_type<sc_vector_subcore>, window_params = [{transform_indices = #map}, {transform_indices = #map1}, {transform_indices = #map1}, {transform_indices = #map}, {transform_indices = #map}]} {
    %mul3A = arith.constant 16 : i32
    %mul3A_0 = arith.muli %arg0, %mul3A : i32
    %add3A = arith.addi %mul3A_0, %arg1 : i32
    %mul3A_1 = arith.constant 632 : i32
    %mul3A_2 = arith.muli %arg1, %mul3A_1 : i32
    "tpu.region"() ({
      %run_scoped3A = tpu.sem_alloc : memref<!tpu.dma_semaphore, #tpu.memory_space<semaphore_mem>>
      %dma_start3A = arith.constant 0 : i32
      %dma_start3A_11 = tpu.memref_slice %arg10[%mul3A_2, %dma_start3A] : memref<10112x128xf32, #tpu.memory_space<vmem_shared>> -> memref<632x128xf32, #tpu.memory_space<vmem_shared>>
      %dma_start3A_12 = arith.constant 0 : i32
      %dma_start3A_13 = tpu.memref_slice %arg5[%mul3A_2, %dma_start3A_12] : memref<10112x128xf32, #tpu.memory_space<hbm>> -> memref<632x128xf32, #tpu.memory_space<hbm>>
      tpu.enqueue_dma source(%dma_start3A_13 : memref<632x128xf32, #tpu.memory_space<hbm>>) target(%dma_start3A_11 : memref<632x128xf32, #tpu.memory_space<vmem_shared>>) target_semaphore(%run_scoped3A : memref<!tpu.dma_semaphore, #tpu.memory_space<semaphore_mem>>)
      %dma_wait3A = arith.constant 0 : i32
      %dma_wait3A_14 = tpu.memref_slice %arg10[%mul3A_2, %dma_wait3A] : memref<10112x128xf32, #tpu.memory_space<vmem_shared>> -> memref<632x128xf32, #tpu.memory_space<vmem_shared>>
      %dma_wait3A_15 = arith.constant 0 : i32
      %dma_wait3A_16 = tpu.memref_slice %arg5[%mul3A_2, %dma_wait3A_15] : memref<10112x128xf32, #tpu.memory_space<hbm>> -> memref<632x128xf32, #tpu.memory_space<hbm>>
      tpu.wait_dma2 semaphore(%run_scoped3A : memref<!tpu.dma_semaphore, #tpu.memory_space<semaphore_mem>>) src(%dma_wait3A_16 : memref<632x128xf32, #tpu.memory_space<hbm>>) dst(%dma_wait3A_14 : memref<632x128xf32, #tpu.memory_space<vmem_shared>>)
      tpu.yield
    }) : () -> ()
    %barrier3A = arith.constant 0 : index
    tpu.barrier barrier_id(%barrier3A)
    %scan3A = arith.constant 0 : i32
    %scan3A_3 = arith.constant 79 : i32
    %scan3A_4 = arith.addi %scan3A, %scan3A_3 : i32
    %scan3A_5 = arith.constant 1 : i32
    scf.for %scan3A_11 = %scan3A to %scan3A_4 step %scan3A_5  : i32 {
      %mul3A_12 = arith.constant 1 : i32
      %mul3A_13 = arith.muli %scan3A_11, %mul3A_12 : i32
      %add3A_14 = arith.constant 0 : i32
      %add3A_15 = arith.addi %add3A_14, %mul3A_13 : i32
      %mul3A_16 = arith.constant 10112 : i32
      %mul3A_17 = arith.muli %add3A, %mul3A_16 : i32
      %mul3A_18 = arith.constant 128 : i32
      %mul3A_19 = arith.muli %add3A_15, %mul3A_18 : i32
      %add3A_20 = arith.addi %mul3A_17, %mul3A_19 : i32
      "tpu.region"() ({
        %run_scoped3A = tpu.sem_alloc : memref<!tpu.dma_semaphore, #tpu.memory_space<semaphore_mem>>
        %dma_start3A_30 = tpu.memref_slice %arg3[%add3A_20] : memref<323584xi32, #tpu.memory_space<hbm>> -> memref<128xi32, #tpu.memory_space<hbm>>
        %dma_start3A_31 = tpu.memref_slice %arg3[%add3A_20] : memref<323584xi32, #tpu.memory_space<hbm>> -> memref<128xi32, #tpu.memory_space<hbm>>
        tpu.enqueue_dma source(%dma_start3A_31 : memref<128xi32, #tpu.memory_space<hbm>>) target(%arg7 : memref<128xi32, #tpu.memory_space<vmem>>) target_semaphore(%run_scoped3A : memref<!tpu.dma_semaphore, #tpu.memory_space<semaphore_mem>>)
        %dma_wait3A_32 = tpu.memref_slice %arg3[%add3A_20] : memref<323584xi32, #tpu.memory_space<hbm>> -> memref<128xi32, #tpu.memory_space<hbm>>
        %dma_wait3A_33 = tpu.memref_slice %arg3[%add3A_20] : memref<323584xi32, #tpu.memory_space<hbm>> -> memref<128xi32, #tpu.memory_space<hbm>>
        tpu.wait_dma2 semaphore(%run_scoped3A : memref<!tpu.dma_semaphore, #tpu.memory_space<semaphore_mem>>) src(%dma_wait3A_33 : memref<128xi32, #tpu.memory_space<hbm>>) dst(%arg7 : memref<128xi32, #tpu.memory_space<vmem>>)
        tpu.yield
      }) : () -> ()
      %mul3A_21 = arith.constant 10112 : i32
      %mul3A_22 = arith.muli %add3A, %mul3A_21 : i32
      %mul3A_23 = arith.constant 128 : i32
      %mul3A_24 = arith.muli %add3A_15, %mul3A_23 : i32
      %add3A_25 = arith.addi %mul3A_22, %mul3A_24 : i32
      "tpu.region"() ({
        %run_scoped3A = tpu.sem_alloc : memref<!tpu.dma_semaphore, #tpu.memory_space<semaphore_mem>>
        %dma_start3A_30 = tpu.memref_slice %arg4[%add3A_25] : memref<323584xi32, #tpu.memory_space<hbm>> -> memref<128xi32, #tpu.memory_space<hbm>>
        %dma_start3A_31 = tpu.memref_slice %arg4[%add3A_25] : memref<323584xi32, #tpu.memory_space<hbm>> -> memref<128xi32, #tpu.memory_space<hbm>>
        tpu.enqueue_dma source(%dma_start3A_31 : memref<128xi32, #tpu.memory_space<hbm>>) target(%arg8 : memref<128xi32, #tpu.memory_space<vmem>>) target_semaphore(%run_scoped3A : memref<!tpu.dma_semaphore, #tpu.memory_space<semaphore_mem>>)
        %dma_wait3A_32 = tpu.memref_slice %arg4[%add3A_25] : memref<323584xi32, #tpu.memory_space<hbm>> -> memref<128xi32, #tpu.memory_space<hbm>>
        %dma_wait3A_33 = tpu.memref_slice %arg4[%add3A_25] : memref<323584xi32, #tpu.memory_space<hbm>> -> memref<128xi32, #tpu.memory_space<hbm>>
        tpu.wait_dma2 semaphore(%run_scoped3A : memref<!tpu.dma_semaphore, #tpu.memory_space<semaphore_mem>>) src(%dma_wait3A_33 : memref<128xi32, #tpu.memory_space<hbm>>) dst(%arg8 : memref<128xi32, #tpu.memory_space<vmem>>)
        tpu.yield
      }) : () -> ()
      %dma_start3A = arith.constant 0 : i32
      %dma_start3A_26 = arith.constant 0 : i32
      %dma_start3A_27 = tpu.memref_slice %arg2[%dma_start3A, %dma_start3A_26] : memref<10000x128xf32, #tpu.memory_space<hbm>> -> memref<10000x128xf32, #tpu.memory_space<hbm>>
      tpu.enqueue_indirect_dma source(%dma_start3A_27 : memref<10000x128xf32, #tpu.memory_space<hbm>>) target(%arg9 : memref<128x128xf32, #tpu.memory_space<vmem>>) offsets(%arg7 : memref<128xi32, #tpu.memory_space<vmem>>) semaphore(%arg11 : memref<!tpu.dma_semaphore, #tpu.memory_space<semaphore_mem>>)
      %dma_wait3A = arith.constant 0 : i32
      %dma_wait3A_28 = arith.constant 0 : i32
      %dma_wait3A_29 = tpu.memref_slice %arg2[%dma_wait3A, %dma_wait3A_28] : memref<10000x128xf32, #tpu.memory_space<hbm>> -> memref<10000x128xf32, #tpu.memory_space<hbm>>
      tpu.wait_indirect_dma semaphore(%arg11 : memref<!tpu.dma_semaphore, #tpu.memory_space<semaphore_mem>>) src(%dma_wait3A_29 : memref<10000x128xf32, #tpu.memory_space<hbm>>) dst(%arg9 : memref<128x128xf32, #tpu.memory_space<vmem>>)
      "tpu.region"() ({
        %run_scoped3A = tpu.sem_alloc : memref<!tpu.dma_semaphore, #tpu.memory_space<semaphore_mem>>
        %dma_start3A_30 = arith.constant 0 : i32
        %dma_start3A_31 = arith.constant 0 : i32
        %dma_start3A_32 = tpu.memref_slice %arg10[%dma_start3A_30, %dma_start3A_31] : memref<10112x128xf32, #tpu.memory_space<vmem_shared>> -> memref<10112x128xf32, #tpu.memory_space<vmem_shared>>
        tpu.enqueue_indirect_dma source(%arg9 : memref<128x128xf32, #tpu.memory_space<vmem>>) target(%dma_start3A_32 : memref<10112x128xf32, #tpu.memory_space<vmem_shared>>) offsets(%arg8 : memref<128xi32, #tpu.memory_space<vmem>>) semaphore(%run_scoped3A : memref<!tpu.dma_semaphore, #tpu.memory_space<semaphore_mem>>) {add = true}
        %dma_wait3A_33 = arith.constant 0 : i32
        %dma_wait3A_34 = arith.constant 0 : i32
        %dma_wait3A_35 = tpu.memref_slice %arg10[%dma_wait3A_33, %dma_wait3A_34] : memref<10112x128xf32, #tpu.memory_space<vmem_shared>> -> memref<10112x128xf32, #tpu.memory_space<vmem_shared>>
        tpu.wait_indirect_dma semaphore(%run_scoped3A : memref<!tpu.dma_semaphore, #tpu.memory_space<semaphore_mem>>) src(%arg9 : memref<128x128xf32, #tpu.memory_space<vmem>>) dst(%dma_wait3A_35 : memref<10112x128xf32, #tpu.memory_space<vmem_shared>>)
        tpu.yield
      }) : () -> ()
    }
    %scan3A_6 = arith.constant 79 : i32
    %barrier3A_7 = arith.constant 0 : index
    tpu.barrier barrier_id(%barrier3A_7)
    %mul3A_8 = arith.constant 10112 : i32
    %mul3A_9 = arith.muli %arg0, %mul3A_8 : i32
    %add3A_10 = arith.addi %mul3A_9, %mul3A_2 : i32
    "tpu.region"() ({
      %run_scoped3A = tpu.sem_alloc : memref<!tpu.dma_semaphore, #tpu.memory_space<semaphore_mem>>
      %dma_start3A = arith.constant 0 : i32
      %dma_start3A_11 = tpu.memref_slice %arg6[%add3A_10, %dma_start3A] : memref<20224x128xf32, #tpu.memory_space<hbm>> -> memref<632x128xf32, #tpu.memory_space<hbm>>
      %dma_start3A_12 = arith.constant 0 : i32
      %dma_start3A_13 = tpu.memref_slice %arg10[%mul3A_2, %dma_start3A_12] : memref<10112x128xf32, #tpu.memory_space<vmem_shared>> -> memref<632x128xf32, #tpu.memory_space<vmem_shared>>
      tpu.enqueue_dma source(%dma_start3A_13 : memref<632x128xf32, #tpu.memory_space<vmem_shared>>) target(%dma_start3A_11 : memref<632x128xf32, #tpu.memory_space<hbm>>) target_semaphore(%run_scoped3A : memref<!tpu.dma_semaphore, #tpu.memory_space<semaphore_mem>>)
      %dma_wait3A = arith.constant 0 : i32
      %dma_wait3A_14 = tpu.memref_slice %arg6[%add3A_10, %dma_wait3A] : memref<20224x128xf32, #tpu.memory_space<hbm>> -> memref<632x128xf32, #tpu.memory_space<hbm>>
      %dma_wait3A_15 = arith.constant 0 : i32
      %dma_wait3A_16 = tpu.memref_slice %arg10[%mul3A_2, %dma_wait3A_15] : memref<10112x128xf32, #tpu.memory_space<vmem_shared>> -> memref<632x128xf32, #tpu.memory_space<vmem_shared>>
      tpu.wait_dma2 semaphore(%run_scoped3A : memref<!tpu.dma_semaphore, #tpu.memory_space<semaphore_mem>>) src(%dma_wait3A_16 : memref<632x128xf32, #tpu.memory_space<vmem_shared>>) dst(%dma_wait3A_14 : memref<632x128xf32, #tpu.memory_space<hbm>>)
      tpu.yield
    }) : () -> ()
    return
  }
}

#map = affine_map<(d0, d1) -> (0, 0)>
#map1 = affine_map<(d0, d1) -> (0)>
module attributes {stable_mosaic.version = 14 : i64} {
  func.func @agg_kernel(%arg0: i32, %arg1: i32, %arg2: memref<10000x128xf32, #tpu.memory_space<hbm>>, %arg3: memref<323584xi32, #tpu.memory_space<hbm>>, %arg4: memref<323584xi32, #tpu.memory_space<hbm>>, %arg5: memref<10112x128xf32, #tpu.memory_space<hbm>>, %arg6: memref<20224x128xf32, #tpu.memory_space<hbm>>, %arg7: memref<128xi32, #tpu.memory_space<vmem>>, %arg8: memref<128xi32, #tpu.memory_space<vmem>>, %arg9: memref<128x128xf32, #tpu.memory_space<vmem>>, %arg10: memref<10112x128xf32, #tpu.memory_space<vmem_shared>>, %arg11: memref<!tpu.dma_semaphore, #tpu.memory_space<semaphore_mem>>, %arg12: memref<!tpu.dma_semaphore, #tpu.memory_space<semaphore_mem>>) attributes {dimension_semantics = [#tpu.dimension_semantics<core_parallel>, #tpu.dimension_semantics<subcore_parallel>], iteration_bounds = array<i64: 2, 16>, scalar_prefetch = 0 : i64, scratch_operands = 6 : i64, tpu.core_type = #tpu.core_type<sc_vector_subcore>, window_params = [{transform_indices = #map}, {transform_indices = #map1}, {transform_indices = #map1}, {transform_indices = #map}, {transform_indices = #map}]} {
    %mul3A = arith.constant 16 : i32
    %mul3A_0 = arith.muli %arg0, %mul3A : i32
    %add3A = arith.addi %mul3A_0, %arg1 : i32
    %mul3A_1 = arith.constant 632 : i32
    %mul3A_2 = arith.muli %arg1, %mul3A_1 : i32
    "tpu.region"() ({
      %run_scoped3A = tpu.sem_alloc : memref<!tpu.dma_semaphore, #tpu.memory_space<semaphore_mem>>
      %dma_start3A = arith.constant 0 : i32
      %dma_start3A_11 = tpu.memref_slice %arg10[%mul3A_2, %dma_start3A] : memref<10112x128xf32, #tpu.memory_space<vmem_shared>> -> memref<632x128xf32, #tpu.memory_space<vmem_shared>>
      %dma_start3A_12 = arith.constant 0 : i32
      %dma_start3A_13 = tpu.memref_slice %arg5[%mul3A_2, %dma_start3A_12] : memref<10112x128xf32, #tpu.memory_space<hbm>> -> memref<632x128xf32, #tpu.memory_space<hbm>>
      tpu.enqueue_dma source(%dma_start3A_13 : memref<632x128xf32, #tpu.memory_space<hbm>>) target(%dma_start3A_11 : memref<632x128xf32, #tpu.memory_space<vmem_shared>>) target_semaphore(%run_scoped3A : memref<!tpu.dma_semaphore, #tpu.memory_space<semaphore_mem>>)
      %dma_wait3A = arith.constant 0 : i32
      %dma_wait3A_14 = tpu.memref_slice %arg10[%mul3A_2, %dma_wait3A] : memref<10112x128xf32, #tpu.memory_space<vmem_shared>> -> memref<632x128xf32, #tpu.memory_space<vmem_shared>>
      %dma_wait3A_15 = arith.constant 0 : i32
      %dma_wait3A_16 = tpu.memref_slice %arg5[%mul3A_2, %dma_wait3A_15] : memref<10112x128xf32, #tpu.memory_space<hbm>> -> memref<632x128xf32, #tpu.memory_space<hbm>>
      tpu.wait_dma2 semaphore(%run_scoped3A : memref<!tpu.dma_semaphore, #tpu.memory_space<semaphore_mem>>) src(%dma_wait3A_16 : memref<632x128xf32, #tpu.memory_space<hbm>>) dst(%dma_wait3A_14 : memref<632x128xf32, #tpu.memory_space<vmem_shared>>)
      tpu.yield
    }) : () -> ()
    %barrier3A = arith.constant 0 : index
    tpu.barrier barrier_id(%barrier3A)
    %scan3A = arith.constant 0 : i32
    %scan3A_3 = arith.constant 79 : i32
    %scan3A_4 = arith.addi %scan3A, %scan3A_3 : i32
    %scan3A_5 = arith.constant 1 : i32
    scf.for %scan3A_11 = %scan3A to %scan3A_4 step %scan3A_5  : i32 {
      %mul3A_12 = arith.constant 1 : i32
      %mul3A_13 = arith.muli %scan3A_11, %mul3A_12 : i32
      %add3A_14 = arith.constant 0 : i32
      %add3A_15 = arith.addi %add3A_14, %mul3A_13 : i32
      %mul3A_16 = arith.constant 10112 : i32
      %mul3A_17 = arith.muli %add3A, %mul3A_16 : i32
      %mul3A_18 = arith.constant 128 : i32
      %mul3A_19 = arith.muli %add3A_15, %mul3A_18 : i32
      %add3A_20 = arith.addi %mul3A_17, %mul3A_19 : i32
      "tpu.region"() ({
        %run_scoped3A = tpu.sem_alloc : memref<!tpu.dma_semaphore, #tpu.memory_space<semaphore_mem>>
        %dma_start3A_30 = tpu.memref_slice %arg3[%add3A_20] : memref<323584xi32, #tpu.memory_space<hbm>> -> memref<128xi32, #tpu.memory_space<hbm>>
        %dma_start3A_31 = tpu.memref_slice %arg3[%add3A_20] : memref<323584xi32, #tpu.memory_space<hbm>> -> memref<128xi32, #tpu.memory_space<hbm>>
        tpu.enqueue_dma source(%dma_start3A_31 : memref<128xi32, #tpu.memory_space<hbm>>) target(%arg7 : memref<128xi32, #tpu.memory_space<vmem>>) target_semaphore(%run_scoped3A : memref<!tpu.dma_semaphore, #tpu.memory_space<semaphore_mem>>)
        %dma_wait3A_32 = tpu.memref_slice %arg3[%add3A_20] : memref<323584xi32, #tpu.memory_space<hbm>> -> memref<128xi32, #tpu.memory_space<hbm>>
        %dma_wait3A_33 = tpu.memref_slice %arg3[%add3A_20] : memref<323584xi32, #tpu.memory_space<hbm>> -> memref<128xi32, #tpu.memory_space<hbm>>
        tpu.wait_dma2 semaphore(%run_scoped3A : memref<!tpu.dma_semaphore, #tpu.memory_space<semaphore_mem>>) src(%dma_wait3A_33 : memref<128xi32, #tpu.memory_space<hbm>>) dst(%arg7 : memref<128xi32, #tpu.memory_space<vmem>>)
        tpu.yield
      }) : () -> ()
      %mul3A_21 = arith.constant 10112 : i32
      %mul3A_22 = arith.muli %add3A, %mul3A_21 : i32
      %mul3A_23 = arith.constant 128 : i32
      %mul3A_24 = arith.muli %add3A_15, %mul3A_23 : i32
      %add3A_25 = arith.addi %mul3A_22, %mul3A_24 : i32
      "tpu.region"() ({
        %run_scoped3A = tpu.sem_alloc : memref<!tpu.dma_semaphore, #tpu.memory_space<semaphore_mem>>
        %dma_start3A_30 = tpu.memref_slice %arg4[%add3A_25] : memref<323584xi32, #tpu.memory_space<hbm>> -> memref<128xi32, #tpu.memory_space<hbm>>
        %dma_start3A_31 = tpu.memref_slice %arg4[%add3A_25] : memref<323584xi32, #tpu.memory_space<hbm>> -> memref<128xi32, #tpu.memory_space<hbm>>
        tpu.enqueue_dma source(%dma_start3A_31 : memref<128xi32, #tpu.memory_space<hbm>>) target(%arg8 : memref<128xi32, #tpu.memory_space<vmem>>) target_semaphore(%run_scoped3A : memref<!tpu.dma_semaphore, #tpu.memory_space<semaphore_mem>>)
        %dma_wait3A_32 = tpu.memref_slice %arg4[%add3A_25] : memref<323584xi32, #tpu.memory_space<hbm>> -> memref<128xi32, #tpu.memory_space<hbm>>
        %dma_wait3A_33 = tpu.memref_slice %arg4[%add3A_25] : memref<323584xi32, #tpu.memory_space<hbm>> -> memref<128xi32, #tpu.memory_space<hbm>>
        tpu.wait_dma2 semaphore(%run_scoped3A : memref<!tpu.dma_semaphore, #tpu.memory_space<semaphore_mem>>) src(%dma_wait3A_33 : memref<128xi32, #tpu.memory_space<hbm>>) dst(%arg8 : memref<128xi32, #tpu.memory_space<vmem>>)
        tpu.yield
      }) : () -> ()
      %dma_start3A = arith.constant 0 : i32
      %dma_start3A_26 = arith.constant 0 : i32
      %dma_start3A_27 = tpu.memref_slice %arg2[%dma_start3A, %dma_start3A_26] : memref<10000x128xf32, #tpu.memory_space<hbm>> -> memref<10000x128xf32, #tpu.memory_space<hbm>>
      tpu.enqueue_indirect_dma source(%dma_start3A_27 : memref<10000x128xf32, #tpu.memory_space<hbm>>) target(%arg9 : memref<128x128xf32, #tpu.memory_space<vmem>>) offsets(%arg7 : memref<128xi32, #tpu.memory_space<vmem>>) semaphore(%arg11 : memref<!tpu.dma_semaphore, #tpu.memory_space<semaphore_mem>>)
      %dma_wait3A = arith.constant 0 : i32
      %dma_wait3A_28 = arith.constant 0 : i32
      %dma_wait3A_29 = tpu.memref_slice %arg2[%dma_wait3A, %dma_wait3A_28] : memref<10000x128xf32, #tpu.memory_space<hbm>> -> memref<10000x128xf32, #tpu.memory_space<hbm>>
      tpu.wait_indirect_dma semaphore(%arg11 : memref<!tpu.dma_semaphore, #tpu.memory_space<semaphore_mem>>) src(%dma_wait3A_29 : memref<10000x128xf32, #tpu.memory_space<hbm>>) dst(%arg9 : memref<128x128xf32, #tpu.memory_space<vmem>>)
      "tpu.region"() ({
        %run_scoped3A = tpu.sem_alloc : memref<!tpu.dma_semaphore, #tpu.memory_space<semaphore_mem>>
        %dma_start3A_30 = arith.constant 0 : i32
        %dma_start3A_31 = arith.constant 0 : i32
        %dma_start3A_32 = tpu.memref_slice %arg10[%dma_start3A_30, %dma_start3A_31] : memref<10112x128xf32, #tpu.memory_space<vmem_shared>> -> memref<10112x128xf32, #tpu.memory_space<vmem_shared>>
        tpu.enqueue_indirect_dma source(%arg9 : memref<128x128xf32, #tpu.memory_space<vmem>>) target(%dma_start3A_32 : memref<10112x128xf32, #tpu.memory_space<vmem_shared>>) offsets(%arg8 : memref<128xi32, #tpu.memory_space<vmem>>) semaphore(%run_scoped3A : memref<!tpu.dma_semaphore, #tpu.memory_space<semaphore_mem>>) {add = true}
        %dma_wait3A_33 = arith.constant 0 : i32
        %dma_wait3A_34 = arith.constant 0 : i32
        %dma_wait3A_35 = tpu.memref_slice %arg10[%dma_wait3A_33, %dma_wait3A_34] : memref<10112x128xf32, #tpu.memory_space<vmem_shared>> -> memref<10112x128xf32, #tpu.memory_space<vmem_shared>>
        tpu.wait_indirect_dma semaphore(%run_scoped3A : memref<!tpu.dma_semaphore, #tpu.memory_space<semaphore_mem>>) src(%arg9 : memref<128x128xf32, #tpu.memory_space<vmem>>) dst(%dma_wait3A_35 : memref<10112x128xf32, #tpu.memory_space<vmem_shared>>)
        tpu.yield
      }) : () -> ()
    }
    %scan3A_6 = arith.constant 79 : i32
    %barrier3A_7 = arith.constant 0 : index
    tpu.barrier barrier_id(%barrier3A_7)
    %mul3A_8 = arith.constant 10112 : i32
    %mul3A_9 = arith.muli %arg0, %mul3A_8 : i32
    %add3A_10 = arith.addi %mul3A_9, %mul3A_2 : i32
    "tpu.region"() ({
      %run_scoped3A = tpu.sem_alloc : memref<!tpu.dma_semaphore, #tpu.memory_space<semaphore_mem>>
      %dma_start3A = arith.constant 0 : i32
      %dma_start3A_11 = tpu.memref_slice %arg6[%add3A_10, %dma_start3A] : memref<20224x128xf32, #tpu.memory_space<hbm>> -> memref<632x128xf32, #tpu.memory_space<hbm>>
      %dma_start3A_12 = arith.constant 0 : i32
      %dma_start3A_13 = tpu.memref_slice %arg10[%mul3A_2, %dma_start3A_12] : memref<10112x128xf32, #tpu.memory_space<vmem_shared>> -> memref<632x128xf32, #tpu.memory_space<vmem_shared>>
      tpu.enqueue_dma source(%dma_start3A_13 : memref<632x128xf32, #tpu.memory_space<vmem_shared>>) target(%dma_start3A_11 : memref<632x128xf32, #tpu.memory_space<hbm>>) target_semaphore(%run_scoped3A : memref<!tpu.dma_semaphore, #tpu.memory_space<semaphore_mem>>)
      %dma_wait3A = arith.constant 0 : i32
      %dma_wait3A_14 = tpu.memref_slice %arg6[%add3A_10, %dma_wait3A] : memref<20224x128xf32, #tpu.memory_space<hbm>> -> memref<632x128xf32, #tpu.memory_space<hbm>>
      %dma_wait3A_15 = arith.constant 0 : i32
      %dma_wait3A_16 = tpu.memref_slice %arg10[%mul3A_2, %dma_wait3A_15] : memref<10112x128xf32, #tpu.memory_space<vmem_shared>> -> memref<632x128xf32, #tpu.memory_space<vmem_shared>>
      tpu.wait_dma2 semaphore(%run_scoped3A : memref<!tpu.dma_semaphore, #tpu.memory_space<semaphore_mem>>) src(%dma_wait3A_16 : memref<632x128xf32, #tpu.memory_space<vmem_shared>>) dst(%dma_wait3A_14 : memref<632x128xf32, #tpu.memory_space<hbm>>)
      tpu.yield
    }) : () -> ()
    return
  }
}

#map = affine_map<(d0, d1) -> (0, 0)>
#map1 = affine_map<(d0, d1) -> (0)>
module attributes {stable_mosaic.version = 14 : i64} {
  func.func @agg_kernel(%arg0: i32, %arg1: i32, %arg2: memref<10000x128xf32, #tpu.memory_space<hbm>>, %arg3: memref<323584xi32, #tpu.memory_space<hbm>>, %arg4: memref<323584xi32, #tpu.memory_space<hbm>>, %arg5: memref<10112x128xf32, #tpu.memory_space<hbm>>, %arg6: memref<20224x128xf32, #tpu.memory_space<hbm>>, %arg7: memref<128xi32, #tpu.memory_space<vmem>>, %arg8: memref<128xi32, #tpu.memory_space<vmem>>, %arg9: memref<128x128xf32, #tpu.memory_space<vmem>>, %arg10: memref<10112x128xf32, #tpu.memory_space<vmem_shared>>, %arg11: memref<!tpu.dma_semaphore, #tpu.memory_space<semaphore_mem>>, %arg12: memref<!tpu.dma_semaphore, #tpu.memory_space<semaphore_mem>>) attributes {dimension_semantics = [#tpu.dimension_semantics<core_parallel>, #tpu.dimension_semantics<subcore_parallel>], iteration_bounds = array<i64: 2, 16>, scalar_prefetch = 0 : i64, scratch_operands = 6 : i64, tpu.core_type = #tpu.core_type<sc_vector_subcore>, window_params = [{transform_indices = #map}, {transform_indices = #map1}, {transform_indices = #map1}, {transform_indices = #map}, {transform_indices = #map}]} {
    %mul3A = arith.constant 16 : i32
    %mul3A_0 = arith.muli %arg0, %mul3A : i32
    %add3A = arith.addi %mul3A_0, %arg1 : i32
    %mul3A_1 = arith.constant 632 : i32
    %mul3A_2 = arith.muli %arg1, %mul3A_1 : i32
    "tpu.region"() ({
      %run_scoped3A = tpu.sem_alloc : memref<!tpu.dma_semaphore, #tpu.memory_space<semaphore_mem>>
      %dma_start3A = arith.constant 0 : i32
      %dma_start3A_11 = tpu.memref_slice %arg10[%mul3A_2, %dma_start3A] : memref<10112x128xf32, #tpu.memory_space<vmem_shared>> -> memref<632x128xf32, #tpu.memory_space<vmem_shared>>
      %dma_start3A_12 = arith.constant 0 : i32
      %dma_start3A_13 = tpu.memref_slice %arg5[%mul3A_2, %dma_start3A_12] : memref<10112x128xf32, #tpu.memory_space<hbm>> -> memref<632x128xf32, #tpu.memory_space<hbm>>
      tpu.enqueue_dma source(%dma_start3A_13 : memref<632x128xf32, #tpu.memory_space<hbm>>) target(%dma_start3A_11 : memref<632x128xf32, #tpu.memory_space<vmem_shared>>) target_semaphore(%run_scoped3A : memref<!tpu.dma_semaphore, #tpu.memory_space<semaphore_mem>>)
      %dma_wait3A = arith.constant 0 : i32
      %dma_wait3A_14 = tpu.memref_slice %arg10[%mul3A_2, %dma_wait3A] : memref<10112x128xf32, #tpu.memory_space<vmem_shared>> -> memref<632x128xf32, #tpu.memory_space<vmem_shared>>
      %dma_wait3A_15 = arith.constant 0 : i32
      %dma_wait3A_16 = tpu.memref_slice %arg5[%mul3A_2, %dma_wait3A_15] : memref<10112x128xf32, #tpu.memory_space<hbm>> -> memref<632x128xf32, #tpu.memory_space<hbm>>
      tpu.wait_dma2 semaphore(%run_scoped3A : memref<!tpu.dma_semaphore, #tpu.memory_space<semaphore_mem>>) src(%dma_wait3A_16 : memref<632x128xf32, #tpu.memory_space<hbm>>) dst(%dma_wait3A_14 : memref<632x128xf32, #tpu.memory_space<vmem_shared>>)
      tpu.yield
    }) : () -> ()
    %barrier3A = arith.constant 0 : index
    tpu.barrier barrier_id(%barrier3A)
    %scan3A = arith.constant 0 : i32
    %scan3A_3 = arith.constant 79 : i32
    %scan3A_4 = arith.addi %scan3A, %scan3A_3 : i32
    %scan3A_5 = arith.constant 1 : i32
    scf.for %scan3A_11 = %scan3A to %scan3A_4 step %scan3A_5  : i32 {
      %mul3A_12 = arith.constant 1 : i32
      %mul3A_13 = arith.muli %scan3A_11, %mul3A_12 : i32
      %add3A_14 = arith.constant 0 : i32
      %add3A_15 = arith.addi %add3A_14, %mul3A_13 : i32
      %mul3A_16 = arith.constant 10112 : i32
      %mul3A_17 = arith.muli %add3A, %mul3A_16 : i32
      %mul3A_18 = arith.constant 128 : i32
      %mul3A_19 = arith.muli %add3A_15, %mul3A_18 : i32
      %add3A_20 = arith.addi %mul3A_17, %mul3A_19 : i32
      "tpu.region"() ({
        %run_scoped3A = tpu.sem_alloc : memref<!tpu.dma_semaphore, #tpu.memory_space<semaphore_mem>>
        %dma_start3A_30 = tpu.memref_slice %arg3[%add3A_20] : memref<323584xi32, #tpu.memory_space<hbm>> -> memref<128xi32, #tpu.memory_space<hbm>>
        %dma_start3A_31 = tpu.memref_slice %arg3[%add3A_20] : memref<323584xi32, #tpu.memory_space<hbm>> -> memref<128xi32, #tpu.memory_space<hbm>>
        tpu.enqueue_dma source(%dma_start3A_31 : memref<128xi32, #tpu.memory_space<hbm>>) target(%arg7 : memref<128xi32, #tpu.memory_space<vmem>>) target_semaphore(%run_scoped3A : memref<!tpu.dma_semaphore, #tpu.memory_space<semaphore_mem>>)
        %dma_wait3A_32 = tpu.memref_slice %arg3[%add3A_20] : memref<323584xi32, #tpu.memory_space<hbm>> -> memref<128xi32, #tpu.memory_space<hbm>>
        %dma_wait3A_33 = tpu.memref_slice %arg3[%add3A_20] : memref<323584xi32, #tpu.memory_space<hbm>> -> memref<128xi32, #tpu.memory_space<hbm>>
        tpu.wait_dma2 semaphore(%run_scoped3A : memref<!tpu.dma_semaphore, #tpu.memory_space<semaphore_mem>>) src(%dma_wait3A_33 : memref<128xi32, #tpu.memory_space<hbm>>) dst(%arg7 : memref<128xi32, #tpu.memory_space<vmem>>)
        tpu.yield
      }) : () -> ()
      %mul3A_21 = arith.constant 10112 : i32
      %mul3A_22 = arith.muli %add3A, %mul3A_21 : i32
      %mul3A_23 = arith.constant 128 : i32
      %mul3A_24 = arith.muli %add3A_15, %mul3A_23 : i32
      %add3A_25 = arith.addi %mul3A_22, %mul3A_24 : i32
      "tpu.region"() ({
        %run_scoped3A = tpu.sem_alloc : memref<!tpu.dma_semaphore, #tpu.memory_space<semaphore_mem>>
        %dma_start3A_30 = tpu.memref_slice %arg4[%add3A_25] : memref<323584xi32, #tpu.memory_space<hbm>> -> memref<128xi32, #tpu.memory_space<hbm>>
        %dma_start3A_31 = tpu.memref_slice %arg4[%add3A_25] : memref<323584xi32, #tpu.memory_space<hbm>> -> memref<128xi32, #tpu.memory_space<hbm>>
        tpu.enqueue_dma source(%dma_start3A_31 : memref<128xi32, #tpu.memory_space<hbm>>) target(%arg8 : memref<128xi32, #tpu.memory_space<vmem>>) target_semaphore(%run_scoped3A : memref<!tpu.dma_semaphore, #tpu.memory_space<semaphore_mem>>)
        %dma_wait3A_32 = tpu.memref_slice %arg4[%add3A_25] : memref<323584xi32, #tpu.memory_space<hbm>> -> memref<128xi32, #tpu.memory_space<hbm>>
        %dma_wait3A_33 = tpu.memref_slice %arg4[%add3A_25] : memref<323584xi32, #tpu.memory_space<hbm>> -> memref<128xi32, #tpu.memory_space<hbm>>
        tpu.wait_dma2 semaphore(%run_scoped3A : memref<!tpu.dma_semaphore, #tpu.memory_space<semaphore_mem>>) src(%dma_wait3A_33 : memref<128xi32, #tpu.memory_space<hbm>>) dst(%arg8 : memref<128xi32, #tpu.memory_space<vmem>>)
        tpu.yield
      }) : () -> ()
      %dma_start3A = arith.constant 0 : i32
      %dma_start3A_26 = arith.constant 0 : i32
      %dma_start3A_27 = tpu.memref_slice %arg2[%dma_start3A, %dma_start3A_26] : memref<10000x128xf32, #tpu.memory_space<hbm>> -> memref<10000x128xf32, #tpu.memory_space<hbm>>
      tpu.enqueue_indirect_dma source(%dma_start3A_27 : memref<10000x128xf32, #tpu.memory_space<hbm>>) target(%arg9 : memref<128x128xf32, #tpu.memory_space<vmem>>) offsets(%arg7 : memref<128xi32, #tpu.memory_space<vmem>>) semaphore(%arg11 : memref<!tpu.dma_semaphore, #tpu.memory_space<semaphore_mem>>)
      %dma_wait3A = arith.constant 0 : i32
      %dma_wait3A_28 = arith.constant 0 : i32
      %dma_wait3A_29 = tpu.memref_slice %arg2[%dma_wait3A, %dma_wait3A_28] : memref<10000x128xf32, #tpu.memory_space<hbm>> -> memref<10000x128xf32, #tpu.memory_space<hbm>>
      tpu.wait_indirect_dma semaphore(%arg11 : memref<!tpu.dma_semaphore, #tpu.memory_space<semaphore_mem>>) src(%dma_wait3A_29 : memref<10000x128xf32, #tpu.memory_space<hbm>>) dst(%arg9 : memref<128x128xf32, #tpu.memory_space<vmem>>)
      "tpu.region"() ({
        %run_scoped3A = tpu.sem_alloc : memref<!tpu.dma_semaphore, #tpu.memory_space<semaphore_mem>>
        %dma_start3A_30 = arith.constant 0 : i32
        %dma_start3A_31 = arith.constant 0 : i32
        %dma_start3A_32 = tpu.memref_slice %arg10[%dma_start3A_30, %dma_start3A_31] : memref<10112x128xf32, #tpu.memory_space<vmem_shared>> -> memref<10112x128xf32, #tpu.memory_space<vmem_shared>>
        tpu.enqueue_indirect_dma source(%arg9 : memref<128x128xf32, #tpu.memory_space<vmem>>) target(%dma_start3A_32 : memref<10112x128xf32, #tpu.memory_space<vmem_shared>>) offsets(%arg8 : memref<128xi32, #tpu.memory_space<vmem>>) semaphore(%run_scoped3A : memref<!tpu.dma_semaphore, #tpu.memory_space<semaphore_mem>>) {add = true}
        %dma_wait3A_33 = arith.constant 0 : i32
        %dma_wait3A_34 = arith.constant 0 : i32
        %dma_wait3A_35 = tpu.memref_slice %arg10[%dma_wait3A_33, %dma_wait3A_34] : memref<10112x128xf32, #tpu.memory_space<vmem_shared>> -> memref<10112x128xf32, #tpu.memory_space<vmem_shared>>
        tpu.wait_indirect_dma semaphore(%run_scoped3A : memref<!tpu.dma_semaphore, #tpu.memory_space<semaphore_mem>>) src(%arg9 : memref<128x128xf32, #tpu.memory_space<vmem>>) dst(%dma_wait3A_35 : memref<10112x128xf32, #tpu.memory_space<vmem_shared>>)
        tpu.yield
      }) : () -> ()
    }
    %scan3A_6 = arith.constant 79 : i32
    %barrier3A_7 = arith.constant 0 : index
    tpu.barrier barrier_id(%barrier3A_7)
    %mul3A_8 = arith.constant 10112 : i32
    %mul3A_9 = arith.muli %arg0, %mul3A_8 : i32
    %add3A_10 = arith.addi %mul3A_9, %mul3A_2 : i32
    "tpu.region"() ({
      %run_scoped3A = tpu.sem_alloc : memref<!tpu.dma_semaphore, #tpu.memory_space<semaphore_mem>>
      %dma_start3A = arith.constant 0 : i32
      %dma_start3A_11 = tpu.memref_slice %arg6[%add3A_10, %dma_start3A] : memref<20224x128xf32, #tpu.memory_space<hbm>> -> memref<632x128xf32, #tpu.memory_space<hbm>>
      %dma_start3A_12 = arith.constant 0 : i32
      %dma_start3A_13 = tpu.memref_slice %arg10[%mul3A_2, %dma_start3A_12] : memref<10112x128xf32, #tpu.memory_space<vmem_shared>> -> memref<632x128xf32, #tpu.memory_space<vmem_shared>>
      tpu.enqueue_dma source(%dma_start3A_13 : memref<632x128xf32, #tpu.memory_space<vmem_shared>>) target(%dma_start3A_11 : memref<632x128xf32, #tpu.memory_space<hbm>>) target_semaphore(%run_scoped3A : memref<!tpu.dma_semaphore, #tpu.memory_space<semaphore_mem>>)
      %dma_wait3A = arith.constant 0 : i32
      %dma_wait3A_14 = tpu.memref_slice %arg6[%add3A_10, %dma_wait3A] : memref<20224x128xf32, #tpu.memory_space<hbm>> -> memref<632x128xf32, #tpu.memory_space<hbm>>
      %dma_wait3A_15 = arith.constant 0 : i32
      %dma_wait3A_16 = tpu.memref_slice %arg10[%mul3A_2, %dma_wait3A_15] : memref<10112x128xf32, #tpu.memory_space<vmem_shared>> -> memref<632x128xf32, #tpu.memory_space<vmem_shared>>
      tpu.wait_dma2 semaphore(%run_scoped3A : memref<!tpu.dma_semaphore, #tpu.memory_space<semaphore_mem>>) src(%dma_wait3A_16 : memref<632x128xf32, #tpu.memory_space<vmem_shared>>) dst(%dma_wait3A_14 : memref<632x128xf32, #tpu.memory_space<hbm>>)
      tpu.yield
    }) : () -> ()
    return
  }
}

#map = affine_map<(d0, d1) -> (0, 0)>
#map1 = affine_map<(d0, d1) -> (0)>
module attributes {stable_mosaic.version = 14 : i64} {
  func.func @agg_kernel(%arg0: i32, %arg1: i32, %arg2: memref<10000x128xf32, #tpu.memory_space<hbm>>, %arg3: memref<323584xi32, #tpu.memory_space<hbm>>, %arg4: memref<323584xi32, #tpu.memory_space<hbm>>, %arg5: memref<10112x128xf32, #tpu.memory_space<hbm>>, %arg6: memref<20224x128xf32, #tpu.memory_space<hbm>>, %arg7: memref<128xi32, #tpu.memory_space<vmem>>, %arg8: memref<128xi32, #tpu.memory_space<vmem>>, %arg9: memref<128x128xf32, #tpu.memory_space<vmem>>, %arg10: memref<10112x128xf32, #tpu.memory_space<vmem_shared>>, %arg11: memref<!tpu.dma_semaphore, #tpu.memory_space<semaphore_mem>>, %arg12: memref<!tpu.dma_semaphore, #tpu.memory_space<semaphore_mem>>) attributes {dimension_semantics = [#tpu.dimension_semantics<core_parallel>, #tpu.dimension_semantics<subcore_parallel>], iteration_bounds = array<i64: 2, 16>, scalar_prefetch = 0 : i64, scratch_operands = 6 : i64, tpu.core_type = #tpu.core_type<sc_vector_subcore>, window_params = [{transform_indices = #map}, {transform_indices = #map1}, {transform_indices = #map1}, {transform_indices = #map}, {transform_indices = #map}]} {
    %mul3A = arith.constant 16 : i32
    %mul3A_0 = arith.muli %arg0, %mul3A : i32
    %add3A = arith.addi %mul3A_0, %arg1 : i32
    %mul3A_1 = arith.constant 632 : i32
    %mul3A_2 = arith.muli %arg1, %mul3A_1 : i32
    "tpu.region"() ({
      %run_scoped3A = tpu.sem_alloc : memref<!tpu.dma_semaphore, #tpu.memory_space<semaphore_mem>>
      %dma_start3A = arith.constant 0 : i32
      %dma_start3A_11 = tpu.memref_slice %arg10[%mul3A_2, %dma_start3A] : memref<10112x128xf32, #tpu.memory_space<vmem_shared>> -> memref<632x128xf32, #tpu.memory_space<vmem_shared>>
      %dma_start3A_12 = arith.constant 0 : i32
      %dma_start3A_13 = tpu.memref_slice %arg5[%mul3A_2, %dma_start3A_12] : memref<10112x128xf32, #tpu.memory_space<hbm>> -> memref<632x128xf32, #tpu.memory_space<hbm>>
      tpu.enqueue_dma source(%dma_start3A_13 : memref<632x128xf32, #tpu.memory_space<hbm>>) target(%dma_start3A_11 : memref<632x128xf32, #tpu.memory_space<vmem_shared>>) target_semaphore(%run_scoped3A : memref<!tpu.dma_semaphore, #tpu.memory_space<semaphore_mem>>)
      %dma_wait3A = arith.constant 0 : i32
      %dma_wait3A_14 = tpu.memref_slice %arg10[%mul3A_2, %dma_wait3A] : memref<10112x128xf32, #tpu.memory_space<vmem_shared>> -> memref<632x128xf32, #tpu.memory_space<vmem_shared>>
      %dma_wait3A_15 = arith.constant 0 : i32
      %dma_wait3A_16 = tpu.memref_slice %arg5[%mul3A_2, %dma_wait3A_15] : memref<10112x128xf32, #tpu.memory_space<hbm>> -> memref<632x128xf32, #tpu.memory_space<hbm>>
      tpu.wait_dma2 semaphore(%run_scoped3A : memref<!tpu.dma_semaphore, #tpu.memory_space<semaphore_mem>>) src(%dma_wait3A_16 : memref<632x128xf32, #tpu.memory_space<hbm>>) dst(%dma_wait3A_14 : memref<632x128xf32, #tpu.memory_space<vmem_shared>>)
      tpu.yield
    }) : () -> ()
    %barrier3A = arith.constant 0 : index
    tpu.barrier barrier_id(%barrier3A)
    %scan3A = arith.constant 0 : i32
    %scan3A_3 = arith.constant 79 : i32
    %scan3A_4 = arith.addi %scan3A, %scan3A_3 : i32
    %scan3A_5 = arith.constant 1 : i32
    scf.for %scan3A_11 = %scan3A to %scan3A_4 step %scan3A_5  : i32 {
      %mul3A_12 = arith.constant 1 : i32
      %mul3A_13 = arith.muli %scan3A_11, %mul3A_12 : i32
      %add3A_14 = arith.constant 0 : i32
      %add3A_15 = arith.addi %add3A_14, %mul3A_13 : i32
      %mul3A_16 = arith.constant 10112 : i32
      %mul3A_17 = arith.muli %add3A, %mul3A_16 : i32
      %mul3A_18 = arith.constant 128 : i32
      %mul3A_19 = arith.muli %add3A_15, %mul3A_18 : i32
      %add3A_20 = arith.addi %mul3A_17, %mul3A_19 : i32
      "tpu.region"() ({
        %run_scoped3A = tpu.sem_alloc : memref<!tpu.dma_semaphore, #tpu.memory_space<semaphore_mem>>
        %dma_start3A_30 = tpu.memref_slice %arg3[%add3A_20] : memref<323584xi32, #tpu.memory_space<hbm>> -> memref<128xi32, #tpu.memory_space<hbm>>
        %dma_start3A_31 = tpu.memref_slice %arg3[%add3A_20] : memref<323584xi32, #tpu.memory_space<hbm>> -> memref<128xi32, #tpu.memory_space<hbm>>
        tpu.enqueue_dma source(%dma_start3A_31 : memref<128xi32, #tpu.memory_space<hbm>>) target(%arg7 : memref<128xi32, #tpu.memory_space<vmem>>) target_semaphore(%run_scoped3A : memref<!tpu.dma_semaphore, #tpu.memory_space<semaphore_mem>>)
        %dma_wait3A_32 = tpu.memref_slice %arg3[%add3A_20] : memref<323584xi32, #tpu.memory_space<hbm>> -> memref<128xi32, #tpu.memory_space<hbm>>
        %dma_wait3A_33 = tpu.memref_slice %arg3[%add3A_20] : memref<323584xi32, #tpu.memory_space<hbm>> -> memref<128xi32, #tpu.memory_space<hbm>>
        tpu.wait_dma2 semaphore(%run_scoped3A : memref<!tpu.dma_semaphore, #tpu.memory_space<semaphore_mem>>) src(%dma_wait3A_33 : memref<128xi32, #tpu.memory_space<hbm>>) dst(%arg7 : memref<128xi32, #tpu.memory_space<vmem>>)
        tpu.yield
      }) : () -> ()
      %mul3A_21 = arith.constant 10112 : i32
      %mul3A_22 = arith.muli %add3A, %mul3A_21 : i32
      %mul3A_23 = arith.constant 128 : i32
      %mul3A_24 = arith.muli %add3A_15, %mul3A_23 : i32
      %add3A_25 = arith.addi %mul3A_22, %mul3A_24 : i32
      "tpu.region"() ({
        %run_scoped3A = tpu.sem_alloc : memref<!tpu.dma_semaphore, #tpu.memory_space<semaphore_mem>>
        %dma_start3A_30 = tpu.memref_slice %arg4[%add3A_25] : memref<323584xi32, #tpu.memory_space<hbm>> -> memref<128xi32, #tpu.memory_space<hbm>>
        %dma_start3A_31 = tpu.memref_slice %arg4[%add3A_25] : memref<323584xi32, #tpu.memory_space<hbm>> -> memref<128xi32, #tpu.memory_space<hbm>>
        tpu.enqueue_dma source(%dma_start3A_31 : memref<128xi32, #tpu.memory_space<hbm>>) target(%arg8 : memref<128xi32, #tpu.memory_space<vmem>>) target_semaphore(%run_scoped3A : memref<!tpu.dma_semaphore, #tpu.memory_space<semaphore_mem>>)
        %dma_wait3A_32 = tpu.memref_slice %arg4[%add3A_25] : memref<323584xi32, #tpu.memory_space<hbm>> -> memref<128xi32, #tpu.memory_space<hbm>>
        %dma_wait3A_33 = tpu.memref_slice %arg4[%add3A_25] : memref<323584xi32, #tpu.memory_space<hbm>> -> memref<128xi32, #tpu.memory_space<hbm>>
        tpu.wait_dma2 semaphore(%run_scoped3A : memref<!tpu.dma_semaphore, #tpu.memory_space<semaphore_mem>>) src(%dma_wait3A_33 : memref<128xi32, #tpu.memory_space<hbm>>) dst(%arg8 : memref<128xi32, #tpu.memory_space<vmem>>)
        tpu.yield
      }) : () -> ()
      %dma_start3A = arith.constant 0 : i32
      %dma_start3A_26 = arith.constant 0 : i32
      %dma_start3A_27 = tpu.memref_slice %arg2[%dma_start3A, %dma_start3A_26] : memref<10000x128xf32, #tpu.memory_space<hbm>> -> memref<10000x128xf32, #tpu.memory_space<hbm>>
      tpu.enqueue_indirect_dma source(%dma_start3A_27 : memref<10000x128xf32, #tpu.memory_space<hbm>>) target(%arg9 : memref<128x128xf32, #tpu.memory_space<vmem>>) offsets(%arg7 : memref<128xi32, #tpu.memory_space<vmem>>) semaphore(%arg11 : memref<!tpu.dma_semaphore, #tpu.memory_space<semaphore_mem>>)
      %dma_wait3A = arith.constant 0 : i32
      %dma_wait3A_28 = arith.constant 0 : i32
      %dma_wait3A_29 = tpu.memref_slice %arg2[%dma_wait3A, %dma_wait3A_28] : memref<10000x128xf32, #tpu.memory_space<hbm>> -> memref<10000x128xf32, #tpu.memory_space<hbm>>
      tpu.wait_indirect_dma semaphore(%arg11 : memref<!tpu.dma_semaphore, #tpu.memory_space<semaphore_mem>>) src(%dma_wait3A_29 : memref<10000x128xf32, #tpu.memory_space<hbm>>) dst(%arg9 : memref<128x128xf32, #tpu.memory_space<vmem>>)
      "tpu.region"() ({
        %run_scoped3A = tpu.sem_alloc : memref<!tpu.dma_semaphore, #tpu.memory_space<semaphore_mem>>
        %dma_start3A_30 = arith.constant 0 : i32
        %dma_start3A_31 = arith.constant 0 : i32
        %dma_start3A_32 = tpu.memref_slice %arg10[%dma_start3A_30, %dma_start3A_31] : memref<10112x128xf32, #tpu.memory_space<vmem_shared>> -> memref<10112x128xf32, #tpu.memory_space<vmem_shared>>
        tpu.enqueue_indirect_dma source(%arg9 : memref<128x128xf32, #tpu.memory_space<vmem>>) target(%dma_start3A_32 : memref<10112x128xf32, #tpu.memory_space<vmem_shared>>) offsets(%arg8 : memref<128xi32, #tpu.memory_space<vmem>>) semaphore(%run_scoped3A : memref<!tpu.dma_semaphore, #tpu.memory_space<semaphore_mem>>) {add = true}
        %dma_wait3A_33 = arith.constant 0 : i32
        %dma_wait3A_34 = arith.constant 0 : i32
        %dma_wait3A_35 = tpu.memref_slice %arg10[%dma_wait3A_33, %dma_wait3A_34] : memref<10112x128xf32, #tpu.memory_space<vmem_shared>> -> memref<10112x128xf32, #tpu.memory_space<vmem_shared>>
        tpu.wait_indirect_dma semaphore(%run_scoped3A : memref<!tpu.dma_semaphore, #tpu.memory_space<semaphore_mem>>) src(%arg9 : memref<128x128xf32, #tpu.memory_space<vmem>>) dst(%dma_wait3A_35 : memref<10112x128xf32, #tpu.memory_space<vmem_shared>>)
        tpu.yield
      }) : () -> ()
    }
    %scan3A_6 = arith.constant 79 : i32
    %barrier3A_7 = arith.constant 0 : index
    tpu.barrier barrier_id(%barrier3A_7)
    %mul3A_8 = arith.constant 10112 : i32
    %mul3A_9 = arith.muli %arg0, %mul3A_8 : i32
    %add3A_10 = arith.addi %mul3A_9, %mul3A_2 : i32
    "tpu.region"() ({
      %run_scoped3A = tpu.sem_alloc : memref<!tpu.dma_semaphore, #tpu.memory_space<semaphore_mem>>
      %dma_start3A = arith.constant 0 : i32
      %dma_start3A_11 = tpu.memref_slice %arg6[%add3A_10, %dma_start3A] : memref<20224x128xf32, #tpu.memory_space<hbm>> -> memref<632x128xf32, #tpu.memory_space<hbm>>
      %dma_start3A_12 = arith.constant 0 : i32
      %dma_start3A_13 = tpu.memref_slice %arg10[%mul3A_2, %dma_start3A_12] : memref<10112x128xf32, #tpu.memory_space<vmem_shared>> -> memref<632x128xf32, #tpu.memory_space<vmem_shared>>
      tpu.enqueue_dma source(%dma_start3A_13 : memref<632x128xf32, #tpu.memory_space<vmem_shared>>) target(%dma_start3A_11 : memref<632x128xf32, #tpu.memory_space<hbm>>) target_semaphore(%run_scoped3A : memref<!tpu.dma_semaphore, #tpu.memory_space<semaphore_mem>>)
      %dma_wait3A = arith.constant 0 : i32
      %dma_wait3A_14 = tpu.memref_slice %arg6[%add3A_10, %dma_wait3A] : memref<20224x128xf32, #tpu.memory_space<hbm>> -> memref<632x128xf32, #tpu.memory_space<hbm>>
      %dma_wait3A_15 = arith.constant 0 : i32
      %dma_wait3A_16 = tpu.memref_slice %arg10[%mul3A_2, %dma_wait3A_15] : memref<10112x128xf32, #tpu.memory_space<vmem_shared>> -> memref<632x128xf32, #tpu.memory_space<vmem_shared>>
      tpu.wait_dma2 semaphore(%run_scoped3A : memref<!tpu.dma_semaphore, #tpu.memory_space<semaphore_mem>>) src(%dma_wait3A_16 : memref<632x128xf32, #tpu.memory_space<vmem_shared>>) dst(%dma_wait3A_14 : memref<632x128xf32, #tpu.memory_space<hbm>>)
      tpu.yield
    }) : () -> ()
    return
  }
}

module attributes {stable_mosaic.version = 14 : i64} {
  func.func @_tc1_body(%arg0: i32, %arg1: memref<1000x128xf32, #tpu.memory_space<vmem>>, %arg2: memref<1000x128xf32, #tpu.memory_space<vmem>>, %arg3: memref<1000x128xf32, #tpu.memory_space<vmem>>, %arg4: memref<128x64xf32, #tpu.memory_space<vmem>>, %arg5: memref<1000x1xf32, #tpu.memory_space<vmem>>, %arg6: memref<1000x128xf32, #tpu.memory_space<vmem>>) attributes {dimension_semantics = [#tpu.dimension_semantics<arbitrary>], iteration_bounds = array<i64: 10>, scalar_prefetch = 0 : i64, scratch_operands = 0 : i64, tpu.core_type = #tpu.core_type<tc>, window_params = [{transform_indices = @transform_0, window_bounds = array<i64: 1000, 128>}, {transform_indices = @transform_1, window_bounds = array<i64: 1000, 128>}, {transform_indices = @transform_2, window_bounds = array<i64: 1000, 128>}, {pipeline_mode = #tpu.pipeline_mode<synchronous>, transform_indices = @transform_3, window_bounds = array<i64: 128, 64>}, {transform_indices = @transform_4, window_bounds = array<i64: 1000, 1>}, {transform_indices = @transform_5, window_bounds = array<i64: 1000, 128>}]} {
    %get3A = arith.constant 0 : index
    %get3A_0 = arith.constant 0 : index
    %get3A_1 = vector.load %arg1[%get3A, %get3A_0] : memref<1000x128xf32, #tpu.memory_space<vmem>>, vector<1000x1xf32>
    %get3A_2 = arith.constant 0 : index
    %get3A_3 = arith.constant 0 : index
    %get3A_4 = vector.load %arg2[%get3A_2, %get3A_3] : memref<1000x128xf32, #tpu.memory_space<vmem>>, vector<1000x1xf32>
    %add3A = arith.addf %get3A_1, %get3A_4 : vector<1000x1xf32>
    %add3A_5 = arith.constant 1.000000e+00 : f32
    %add3A_6 = vector.broadcast %add3A_5 : f32 to vector<1000x1xf32>
    %add3A_7 = arith.addf %add3A, %add3A_6 : vector<1000x1xf32>
    %rsqrt3A = math.rsqrt %add3A_7 : vector<1000x1xf32>
    %swap3A = arith.constant 0 : index
    %swap3A_8 = arith.constant 0 : index
    %swap3A_9 = vector.load %arg5[%swap3A, %swap3A_8] : memref<1000x1xf32, #tpu.memory_space<vmem>>, vector<1000x1xf32>
    tpu.vector_store %arg5[%swap3A, %swap3A_8], %rsqrt3A {strides = array<i32>} : memref<1000x1xf32, #tpu.memory_space<vmem>>, vector<1000x1xf32>,
    %get3A_10 = arith.constant 0 : index
    %get3A_11 = arith.constant 0 : index
    %get3A_12 = vector.load %arg3[%get3A_10, %get3A_11] : memref<1000x128xf32, #tpu.memory_space<vmem>>, vector<1000x128xf32>
    %get3A_13 = arith.constant 0 : index
    %get3A_14 = arith.constant 0 : index
    %get3A_15 = vector.load %arg4[%get3A_13, %get3A_14] : memref<128x64xf32, #tpu.memory_space<vmem>>, vector<128x64xf32>
    %dot_general3A = arith.constant dense<0.000000e+00> : vector<1000x64xf32>
    %dot_general3A_16 = tpu.matmul %get3A_12, %get3A_15, %dot_general3A {dimension_numbers = #tpu.dot_dimension_numbers<[1], [0], [0], [1], [0, 0, 1, 1], [], []>, transpose_lhs_hint = false} : vector<1000x128xf32>, vector<128x64xf32>, vector<1000x64xf32> -> vector<1000x64xf32>
    %mul3A = vector.broadcast %rsqrt3A : vector<1000x1xf32> to vector<1000x64xf32>
    %mul3A_17 = arith.mulf %mul3A, %dot_general3A_16 : vector<1000x64xf32>
    %jit3A = arith.constant 0 : i32
    %convert_element_type3A = arith.sitofp %jit3A : i32 to f32
    %pad3A = vector.broadcast %convert_element_type3A : f32 to vector<1000x64xf32>
    %pad3A_18 = tpu.concatenate %mul3A_17, %pad3A in 1 : vector<1000x64xf32>, vector<1000x64xf32> -> vector<1000x128xf32>
    %swap3A_19 = arith.constant 0 : index
    %swap3A_20 = arith.constant 0 : index
    %swap3A_21 = vector.load %arg6[%swap3A_19, %swap3A_20] : memref<1000x128xf32, #tpu.memory_space<vmem>>, vector<1000x128xf32>
    tpu.vector_store %arg6[%swap3A_19, %swap3A_20], %pad3A_18 {strides = array<i32>} : memref<1000x128xf32, #tpu.memory_space<vmem>>, vector<1000x128xf32>,
    return
  }
  func.func @transform_0(%arg0: i32) -> (i32, i32) {
    %c0_i32 = arith.constant 0 : i32
    %c0_i32_0 = arith.constant 0 : i32
    return %arg0, %c0_i32 : i32, i32
  }
  func.func @transform_1(%arg0: i32) -> (i32, i32) {
    %c0_i32 = arith.constant 0 : i32
    %c0_i32_0 = arith.constant 0 : i32
    return %arg0, %c0_i32 : i32, i32
  }
  func.func @transform_2(%arg0: i32) -> (i32, i32) {
    %c0_i32 = arith.constant 0 : i32
    %c0_i32_0 = arith.constant 0 : i32
    return %arg0, %c0_i32 : i32, i32
  }
  func.func @transform_3(%arg0: i32) -> (i32, i32) {
    %c0_i32 = arith.constant 0 : i32
    %c0_i32_0 = arith.constant 0 : i32
    %c0_i32_1 = arith.constant 0 : i32
    return %c0_i32, %c0_i32_0 : i32, i32
  }
  func.func @transform_4(%arg0: i32) -> (i32, i32) {
    %c0_i32 = arith.constant 0 : i32
    %c0_i32_0 = arith.constant 0 : i32
    return %arg0, %c0_i32 : i32, i32
  }
  func.func @transform_5(%arg0: i32) -> (i32, i32) {
    %c0_i32 = arith.constant 0 : i32
    %c0_i32_0 = arith.constant 0 : i32
    return %arg0, %c0_i32 : i32, i32
  }
}

module attributes {stable_mosaic.version = 14 : i64} {
  func.func @_tc_mid_body(%arg0: i32, %arg1: memref<1000x128xf32, #tpu.memory_space<vmem>>, %arg2: memref<1000x128xf32, #tpu.memory_space<vmem>>, %arg3: memref<1000x128xf32, #tpu.memory_space<vmem>>, %arg4: memref<1000x1xf32, #tpu.memory_space<vmem>>, %arg5: memref<1x64xf32, #tpu.memory_space<vmem>>, %arg6: memref<64x64xf32, #tpu.memory_space<vmem>>, %arg7: memref<1000x128xf32, #tpu.memory_space<vmem>>) attributes {dimension_semantics = [#tpu.dimension_semantics<arbitrary>], iteration_bounds = array<i64: 10>, scalar_prefetch = 0 : i64, scratch_operands = 0 : i64, tpu.core_type = #tpu.core_type<tc>, window_params = [{transform_indices = @transform_0, window_bounds = array<i64: 1000, 128>}, {transform_indices = @transform_1, window_bounds = array<i64: 1000, 128>}, {transform_indices = @transform_2, window_bounds = array<i64: 1000, 128>}, {transform_indices = @transform_3, window_bounds = array<i64: 1000, 1>}, {pipeline_mode = #tpu.pipeline_mode<synchronous>, transform_indices = @transform_4, window_bounds = array<i64: 1, 64>}, {pipeline_mode = #tpu.pipeline_mode<synchronous>, transform_indices = @transform_5, window_bounds = array<i64: 64, 64>}, {transform_indices = @transform_6, window_bounds = array<i64: 1000, 128>}]} {
    %get3A = arith.constant 0 : index
    %get3A_0 = arith.constant 0 : index
    %get3A_1 = vector.load %arg4[%get3A, %get3A_0] : memref<1000x1xf32, #tpu.memory_space<vmem>>, vector<1000x1xf32>
    %get3A_2 = arith.constant 0 : index
    %get3A_3 = arith.constant 0 : index
    %get3A_4 = vector.load %arg1[%get3A_2, %get3A_3] : memref<1000x128xf32, #tpu.memory_space<vmem>>, vector<1000x64xf32>
    %get3A_5 = arith.constant 0 : index
    %get3A_6 = arith.constant 0 : index
    %get3A_7 = vector.load %arg2[%get3A_5, %get3A_6] : memref<1000x128xf32, #tpu.memory_space<vmem>>, vector<1000x64xf32>
    %add3A = arith.addf %get3A_4, %get3A_7 : vector<1000x64xf32>
    %get3A_8 = arith.constant 0 : index
    %get3A_9 = arith.constant 0 : index
    %get3A_10 = vector.load %arg3[%get3A_8, %get3A_9] : memref<1000x128xf32, #tpu.memory_space<vmem>>, vector<1000x64xf32>
    %add3A_11 = arith.addf %add3A, %get3A_10 : vector<1000x64xf32>
    %mul3A = vector.broadcast %get3A_1 : vector<1000x1xf32> to vector<1000x64xf32>
    %mul3A_12 = arith.mulf %mul3A, %add3A_11 : vector<1000x64xf32>
    %get3A_13 = arith.constant 0 : index
    %get3A_14 = arith.constant 0 : index
    %get3A_15 = vector.load %arg5[%get3A_13, %get3A_14] : memref<1x64xf32, #tpu.memory_space<vmem>>, vector<1x64xf32>
    %add3A_16 = vector.broadcast %get3A_15 : vector<1x64xf32> to vector<1000x64xf32>
    %add3A_17 = arith.addf %mul3A_12, %add3A_16 : vector<1000x64xf32>
    %max3A = arith.constant 0.000000e+00 : f32
    %max3A_18 = vector.broadcast %max3A : f32 to vector<1000x64xf32>
    %max3A_19 = arith.maximumf %add3A_17, %max3A_18 : vector<1000x64xf32>
    %get3A_20 = arith.constant 0 : index
    %get3A_21 = arith.constant 0 : index
    %get3A_22 = vector.load %arg6[%get3A_20, %get3A_21] : memref<64x64xf32, #tpu.memory_space<vmem>>, vector<64x64xf32>
    %dot_general3A = arith.constant dense<0.000000e+00> : vector<1000x64xf32>
    %dot_general3A_23 = tpu.matmul %max3A_19, %get3A_22, %dot_general3A {dimension_numbers = #tpu.dot_dimension_numbers<[1], [0], [0], [1], [0, 0, 1, 1], [], []>, transpose_lhs_hint = false} : vector<1000x64xf32>, vector<64x64xf32>, vector<1000x64xf32> -> vector<1000x64xf32>
    %mul3A_24 = vector.broadcast %get3A_1 : vector<1000x1xf32> to vector<1000x64xf32>
    %mul3A_25 = arith.mulf %mul3A_24, %dot_general3A_23 : vector<1000x64xf32>
    %jit3A = arith.constant 0 : i32
    %convert_element_type3A = arith.sitofp %jit3A : i32 to f32
    %pad3A = vector.broadcast %convert_element_type3A : f32 to vector<1000x64xf32>
    %pad3A_26 = tpu.concatenate %mul3A_25, %pad3A in 1 : vector<1000x64xf32>, vector<1000x64xf32> -> vector<1000x128xf32>
    %swap3A = arith.constant 0 : index
    %swap3A_27 = arith.constant 0 : index
    %swap3A_28 = vector.load %arg7[%swap3A, %swap3A_27] : memref<1000x128xf32, #tpu.memory_space<vmem>>, vector<1000x128xf32>
    tpu.vector_store %arg7[%swap3A, %swap3A_27], %pad3A_26 {strides = array<i32>} : memref<1000x128xf32, #tpu.memory_space<vmem>>, vector<1000x128xf32>,
    return
  }
  func.func @transform_0(%arg0: i32) -> (i32, i32) {
    %c0_i32 = arith.constant 0 : i32
    %c0_i32_0 = arith.constant 0 : i32
    return %arg0, %c0_i32 : i32, i32
  }
  func.func @transform_1(%arg0: i32) -> (i32, i32) {
    %c0_i32 = arith.constant 0 : i32
    %c0_i32_0 = arith.constant 0 : i32
    return %arg0, %c0_i32 : i32, i32
  }
  func.func @transform_2(%arg0: i32) -> (i32, i32) {
    %c0_i32 = arith.constant 0 : i32
    %c0_i32_0 = arith.constant 0 : i32
    return %arg0, %c0_i32 : i32, i32
  }
  func.func @transform_3(%arg0: i32) -> (i32, i32) {
    %c0_i32 = arith.constant 0 : i32
    %c0_i32_0 = arith.constant 0 : i32
    return %arg0, %c0_i32 : i32, i32
  }
  func.func @transform_4(%arg0: i32) -> (i32, i32) {
    %c0_i32 = arith.constant 0 : i32
    %c0_i32_0 = arith.constant 0 : i32
    %c0_i32_1 = arith.constant 0 : i32
    return %c0_i32, %c0_i32_0 : i32, i32
  }
  func.func @transform_5(%arg0: i32) -> (i32, i32) {
    %c0_i32 = arith.constant 0 : i32
    %c0_i32_0 = arith.constant 0 : i32
    %c0_i32_1 = arith.constant 0 : i32
    return %c0_i32, %c0_i32_0 : i32, i32
  }
  func.func @transform_6(%arg0: i32) -> (i32, i32) {
    %c0_i32 = arith.constant 0 : i32
    %c0_i32_0 = arith.constant 0 : i32
    return %arg0, %c0_i32 : i32, i32
  }
}

module attributes {stable_mosaic.version = 14 : i64} {
  func.func @_tc_final_body(%arg0: i32, %arg1: memref<1000x128xf32, #tpu.memory_space<vmem>>, %arg2: memref<1000x128xf32, #tpu.memory_space<vmem>>, %arg3: memref<1000x128xf32, #tpu.memory_space<vmem>>, %arg4: memref<1000x1xf32, #tpu.memory_space<vmem>>, %arg5: memref<1x64xf32, #tpu.memory_space<vmem>>, %arg6: memref<1000x1xi32, #tpu.memory_space<vmem>>, %arg7: memref<64x1xf32, #tpu.memory_space<vmem>>, %arg8: memref<1x1xf32, #tpu.memory_space<vmem>>, %arg9: memref<64x1xf32, #tpu.memory_space<vmem>>, %arg10: memref<64x64xf32, #tpu.memory_space<vmem>>, %arg11: memref<64x1xf32, #tpu.memory_space<vmem>>) attributes {dimension_semantics = [#tpu.dimension_semantics<arbitrary>], iteration_bounds = array<i64: 10>, scalar_prefetch = 0 : i64, scratch_operands = 2 : i64, tpu.core_type = #tpu.core_type<tc>, window_params = [{transform_indices = @transform_0, window_bounds = array<i64: 1000, 128>}, {transform_indices = @transform_1, window_bounds = array<i64: 1000, 128>}, {transform_indices = @transform_2, window_bounds = array<i64: 1000, 128>}, {transform_indices = @transform_3, window_bounds = array<i64: 1000, 1>}, {pipeline_mode = #tpu.pipeline_mode<synchronous>, transform_indices = @transform_4, window_bounds = array<i64: 1, 64>}, {transform_indices = @transform_5, window_bounds = array<i64: 1000, 1>}, {pipeline_mode = #tpu.pipeline_mode<synchronous>, transform_indices = @transform_6, window_bounds = array<i64: 64, 1>}, {pipeline_mode = #tpu.pipeline_mode<synchronous>, transform_indices = @transform_7, window_bounds = array<i64: 1, 1>}, {pipeline_mode = #tpu.pipeline_mode<synchronous>, transform_indices = @transform_8, window_bounds = array<i64: 64, 1>}]} {
    %eq3A = arith.constant 0 : i32
    %eq3A_0 = arith.cmpi eq, %arg0, %eq3A : i32
    %convert_element_type3A = arith.extui %eq3A_0 : i1 to i32
    %cond3A = arith.constant 0 : i32
    %cond3A_1 = arith.cmpi ne, %convert_element_type3A, %cond3A : i32
    scf.if %cond3A_1 {
      %broadcast_in_dim3A_50 = arith.constant 0.000000e+00 : f32
      %broadcast_in_dim3A_51 = vector.broadcast %broadcast_in_dim3A_50 : f32 to vector<64x64xf32>
      %swap3A_52 = arith.constant 0 : index
      %swap3A_53 = arith.constant 0 : index
      %swap3A_54 = vector.load %arg10[%swap3A_52, %swap3A_53] : memref<64x64xf32, #tpu.memory_space<vmem>>, vector<64x64xf32>
      tpu.vector_store %arg10[%swap3A_52, %swap3A_53], %broadcast_in_dim3A_51 {strides = array<i32>} : memref<64x64xf32, #tpu.memory_space<vmem>>, vector<64x64xf32>,
      %broadcast_in_dim3A_55 = arith.constant 0.000000e+00 : f32
      %broadcast_in_dim3A_56 = vector.broadcast %broadcast_in_dim3A_55 : f32 to vector<64x1xf32>
      %swap3A_57 = arith.constant 0 : index
      %swap3A_58 = arith.constant 0 : index
      %swap3A_59 = vector.load %arg11[%swap3A_57, %swap3A_58] : memref<64x1xf32, #tpu.memory_space<vmem>>, vector<64x1xf32>
      tpu.vector_store %arg11[%swap3A_57, %swap3A_58], %broadcast_in_dim3A_56 {strides = array<i32>} : memref<64x1xf32, #tpu.memory_space<vmem>>, vector<64x1xf32>,
    } else {
    }
    %get3A = arith.constant 0 : index
    %get3A_2 = arith.constant 0 : index
    %get3A_3 = vector.load %arg4[%get3A, %get3A_2] : memref<1000x1xf32, #tpu.memory_space<vmem>>, vector<1000x1xf32>
    %get3A_4 = arith.constant 0 : index
    %get3A_5 = arith.constant 0 : index
    %get3A_6 = vector.load %arg1[%get3A_4, %get3A_5] : memref<1000x128xf32, #tpu.memory_space<vmem>>, vector<1000x64xf32>
    %get3A_7 = arith.constant 0 : index
    %get3A_8 = arith.constant 0 : index
    %get3A_9 = vector.load %arg2[%get3A_7, %get3A_8] : memref<1000x128xf32, #tpu.memory_space<vmem>>, vector<1000x64xf32>
    %add3A = arith.addf %get3A_6, %get3A_9 : vector<1000x64xf32>
    %get3A_10 = arith.constant 0 : index
    %get3A_11 = arith.constant 0 : index
    %get3A_12 = vector.load %arg3[%get3A_10, %get3A_11] : memref<1000x128xf32, #tpu.memory_space<vmem>>, vector<1000x64xf32>
    %add3A_13 = arith.addf %add3A, %get3A_12 : vector<1000x64xf32>
    %mul3A = vector.broadcast %get3A_3 : vector<1000x1xf32> to vector<1000x64xf32>
    %mul3A_14 = arith.mulf %mul3A, %add3A_13 : vector<1000x64xf32>
    %get3A_15 = arith.constant 0 : index
    %get3A_16 = arith.constant 0 : index
    %get3A_17 = vector.load %arg5[%get3A_15, %get3A_16] : memref<1x64xf32, #tpu.memory_space<vmem>>, vector<1x64xf32>
    %add3A_18 = vector.broadcast %get3A_17 : vector<1x64xf32> to vector<1000x64xf32>
    %add3A_19 = arith.addf %mul3A_14, %add3A_18 : vector<1000x64xf32>
    %iota3A = tpu.iota {dimensions = array<i32: 1>} : vector<1x64xi32>
    %get3A_20 = arith.constant 0 : index
    %get3A_21 = arith.constant 0 : index
    %get3A_22 = vector.load %arg6[%get3A_20, %get3A_21] : memref<1000x1xi32, #tpu.memory_space<vmem>>, vector<1000x1xi32>
    %eq3A_23 = vector.broadcast %get3A_22 : vector<1000x1xi32> to vector<1000x64xi32>
    %eq3A_24 = vector.broadcast %iota3A : vector<1x64xi32> to vector<1000x64xi32>
    %eq3A_25 = arith.cmpi eq, %eq3A_23, %eq3A_24 : vector<1000x64xi32>
    %convert_element_type3A_26 = arith.extui %eq3A_25 : vector<1000x64xi1> to vector<1000x64xi32>
    %convert_element_type3A_27 = arith.sitofp %convert_element_type3A_26 : vector<1000x64xi32> to vector<1000x64xf32>
    %get3A_28 = arith.constant 0 : index
    %get3A_29 = arith.constant 0 : index
    %get3A_30 = vector.load %arg10[%get3A_28, %get3A_29] : memref<64x64xf32, #tpu.memory_space<vmem>>, vector<64x64xf32>
    %dot_general3A = arith.constant dense<0.000000e+00> : vector<64x64xf32>
    %dot_general3A_31 = tpu.matmul %convert_element_type3A_27, %add3A_19, %dot_general3A {dimension_numbers = #tpu.dot_dimension_numbers<[0], [0], [1], [1], [0, 1, 1, 1], [], []>, transpose_lhs_hint = false} : vector<1000x64xf32>, vector<1000x64xf32>, vector<64x64xf32> -> vector<64x64xf32>
    %add3A_32 = arith.addf %get3A_30, %dot_general3A_31 : vector<64x64xf32>
    %swap3A = arith.constant 0 : index
    %swap3A_33 = arith.constant 0 : index
    %swap3A_34 = vector.load %arg10[%swap3A, %swap3A_33] : memref<64x64xf32, #tpu.memory_space<vmem>>, vector<64x64xf32>
    tpu.vector_store %arg10[%swap3A, %swap3A_33], %add3A_32 {strides = array<i32>} : memref<64x64xf32, #tpu.memory_space<vmem>>, vector<64x64xf32>,
    %broadcast_in_dim3A = arith.constant 1.000000e+00 : f32
    %broadcast_in_dim3A_35 = vector.broadcast %broadcast_in_dim3A : f32 to vector<1000x1xf32>
    %get3A_36 = arith.constant 0 : index
    %get3A_37 = arith.constant 0 : index
    %get3A_38 = vector.load %arg11[%get3A_36, %get3A_37] : memref<64x1xf32, #tpu.memory_space<vmem>>, vector<64x1xf32>
    %dot_general3A_39 = arith.constant dense<0.000000e+00> : vector<64x1xf32>
    %dot_general3A_40 = tpu.matmul %convert_element_type3A_27, %broadcast_in_dim3A_35, %dot_general3A_39 {dimension_numbers = #tpu.dot_dimension_numbers<[0], [0], [1], [1], [0, 1, 1, 1], [], []>, transpose_lhs_hint = false} : vector<1000x64xf32>, vector<1000x1xf32>, vector<64x1xf32> -> vector<64x1xf32>
    %add3A_41 = arith.addf %get3A_38, %dot_general3A_40 : vector<64x1xf32>
    %swap3A_42 = arith.constant 0 : index
    %swap3A_43 = arith.constant 0 : index
    %swap3A_44 = vector.load %arg11[%swap3A_42, %swap3A_43] : memref<64x1xf32, #tpu.memory_space<vmem>>, vector<64x1xf32>
    tpu.vector_store %arg11[%swap3A_42, %swap3A_43], %add3A_41 {strides = array<i32>} : memref<64x1xf32, #tpu.memory_space<vmem>>, vector<64x1xf32>,
    %eq3A_45 = arith.constant 9 : i32
    %eq3A_46 = arith.cmpi eq, %arg0, %eq3A_45 : i32
    %convert_element_type3A_47 = arith.extui %eq3A_46 : i1 to i32
    %cond3A_48 = arith.constant 0 : i32
    %cond3A_49 = arith.cmpi ne, %convert_element_type3A_47, %cond3A_48 : i32
    scf.if %cond3A_49 {
      %get3A_50 = arith.constant 0 : index
      %get3A_51 = arith.constant 0 : index
      %get3A_52 = vector.load %arg10[%get3A_50, %get3A_51] : memref<64x64xf32, #tpu.memory_space<vmem>>, vector<64x64xf32>
      %get3A_53 = arith.constant 0 : index
      %get3A_54 = arith.constant 0 : index
      %get3A_55 = vector.load %arg11[%get3A_53, %get3A_54] : memref<64x1xf32, #tpu.memory_space<vmem>>, vector<64x1xf32>
      %max3A = arith.constant 1.000000e+00 : f32
      %max3A_56 = vector.broadcast %max3A : f32 to vector<64x1xf32>
      %max3A_57 = arith.maximumf %get3A_55, %max3A_56 : vector<64x1xf32>
      %div3A = vector.broadcast %max3A_57 : vector<64x1xf32> to vector<64x64xf32>
      %div3A_58 = arith.divf %get3A_52, %div3A : vector<64x64xf32>
      %get3A_59 = arith.constant 0 : index
      %get3A_60 = arith.constant 0 : index
      %get3A_61 = vector.load %arg7[%get3A_59, %get3A_60] : memref<64x1xf32, #tpu.memory_space<vmem>>, vector<64x1xf32>
      %dot_general3A_62 = arith.constant dense<0.000000e+00> : vector<64x1xf32>
      %dot_general3A_63 = tpu.matmul %div3A_58, %get3A_61, %dot_general3A_62 {dimension_numbers = #tpu.dot_dimension_numbers<[1], [0], [0], [1], [0, 0, 1, 1], [], []>, transpose_lhs_hint = false} : vector<64x64xf32>, vector<64x1xf32>, vector<64x1xf32> -> vector<64x1xf32>
      %get3A_64 = arith.constant 0 : index
      %get3A_65 = arith.constant 0 : index
      %get3A_66 = vector.load %arg8[%get3A_64, %get3A_65] : memref<1x1xf32, #tpu.memory_space<vmem>>, vector<1x1xf32>
      %add3A_67 = vector.broadcast %get3A_66 : vector<1x1xf32> to vector<64x1xf32>
      %add3A_68 = arith.addf %dot_general3A_63, %add3A_67 : vector<64x1xf32>
      %swap3A_69 = arith.constant 0 : index
      %swap3A_70 = arith.constant 0 : index
      %swap3A_71 = vector.load %arg9[%swap3A_69, %swap3A_70] : memref<64x1xf32, #tpu.memory_space<vmem>>, vector<64x1xf32>
      tpu.vector_store %arg9[%swap3A_69, %swap3A_70], %add3A_68 {strides = array<i32>} : memref<64x1xf32, #tpu.memory_space<vmem>>, vector<64x1xf32>,
    } else {
    }
    return
  }
  func.func @transform_0(%arg0: i32) -> (i32, i32) {
    %c0_i32 = arith.constant 0 : i32
    %c0_i32_0 = arith.constant 0 : i32
    return %arg0, %c0_i32 : i32, i32
  }
  func.func @transform_1(%arg0: i32) -> (i32, i32) {
    %c0_i32 = arith.constant 0 : i32
    %c0_i32_0 = arith.constant 0 : i32
    return %arg0, %c0_i32 : i32, i32
  }
  func.func @transform_2(%arg0: i32) -> (i32, i32) {
    %c0_i32 = arith.constant 0 : i32
    %c0_i32_0 = arith.constant 0 : i32
    return %arg0, %c0_i32 : i32, i32
  }
  func.func @transform_3(%arg0: i32) -> (i32, i32) {
    %c0_i32 = arith.constant 0 : i32
    %c0_i32_0 = arith.constant 0 : i32
    return %arg0, %c0_i32 : i32, i32
  }
  func.func @transform_4(%arg0: i32) -> (i32, i32) {
    %c0_i32 = arith.constant 0 : i32
    %c0_i32_0 = arith.constant 0 : i32
    %c0_i32_1 = arith.constant 0 : i32
    return %c0_i32, %c0_i32_0 : i32, i32
  }
  func.func @transform_5(%arg0: i32) -> (i32, i32) {
    %c0_i32 = arith.constant 0 : i32
    %c0_i32_0 = arith.constant 0 : i32
    return %arg0, %c0_i32 : i32, i32
  }
  func.func @transform_6(%arg0: i32) -> (i32, i32) {
    %c0_i32 = arith.constant 0 : i32
    %c0_i32_0 = arith.constant 0 : i32
    %c0_i32_1 = arith.constant 0 : i32
    return %c0_i32, %c0_i32_0 : i32, i32
  }
  func.func @transform_7(%arg0: i32) -> (i32, i32) {
    %c0_i32 = arith.constant 0 : i32
    %c0_i32_0 = arith.constant 0 : i32
    %c0_i32_1 = arith.constant 0 : i32
    return %c0_i32, %c0_i32_0 : i32, i32
  }
  func.func @transform_8(%arg0: i32) -> (i32, i32) {
    %c0_i32 = arith.constant 0 : i32
    %c0_i32_0 = arith.constant 0 : i32
    %c0_i32_1 = arith.constant 0 : i32
    return %c0_i32, %c0_i32_0 : i32, i32
  }
}

</mosaic_0001>

<sc_bundles>
// kernel: kernel.10.cloned.1.call-start
scs
__scs_entry_jumppad:
0x0: {  	(pc) =	sbr.rel $0x88, $3  }
0x1: {  	(tag) =	ssettag $0x0;
	lr =	simm.s32 $0x1  }
0x2: {  	[smem:$0x3F96] =	sst lr;
	_ =	strace $0xD0000000  }
0x3: {  	_ = 	snop  }
0x4: {  	_ = 	snop  }
0x5: {  	_ = 	snop  }
0x6: {  	_ = 	snop  }
0x7: {  	_ = 	snop  }
__scs_overlays_trampoline_lowered:
0x8: {  	[smem:$0x3FA5] =	sst s0  }
0x9: {  	[smem:$0x3FA6] =	sst s1  }
0xa: {  	[smem:$0x3FA7] =	sst s2  }
0xb: {  	[smem:$0x3FA8] =	sst s3  }
0xc: {  	[smem:$0x3FA9] =	sst s4  }
0xd: {  	[smem:$0x3FAA] =	sst s5  }
0xe: {  	[smem:$0x3FAB] =	sst s6  }
0xf: {  	[smem:$0x3FAC] =	sst s7  }
0x10: {  	[smem:$0x3FAD] =	sst s8  }
0x11: {  	[smem:$0x3FAE] =	sst s9;
	s0 =	simm.s32 @!p0 $0x0  }
0x12: {  	s1 =	sld [smem:$0x3F94];
	s0 =	simm.s32 @p0 $0x1  }
0x13: {  	[smem:$0x3FAF] =	sst s0;
	s0 =	simm.s32 @!p1 $0x0  }
0x14: {  	s2 =	sld [smem:$0x3F93];
	s0 =	simm.s32 @p1 $0x1  }
0x15: {  	[smem:$0x3FB0] =	sst s0;
	s0 =	simm.s32 @!p2 $0x0  }
0x16: {  	s3 =	sld [smem:$0x3FDB];
	s0 =	simm.s32 @p2 $0x1  }
0x17: {  	s4 =	simm.s32 $0x1BF5;
	[smem:$0x3FB2] =	sst s0  }
0x18: {  	s0 =	sld [smem:$0x3F95];
	_ =	swait.ge [sflag:s4], $0x0  }
0x19: {  	s7 =	sld [smem:$0x3F96]  }
0x1a: {  	s8 =	sadd.s32 $0xFFFFE003, lr  }
0x1b: {  	s9 =	sadd.s32 $0xFFFFFEF7, lr;
	s5 =	simm.s32 $0xFFFFFFFF;
	p2 =	slt.u32 s8, $0xFFFFF086  }
0x1c: {  	p1 =	slt.u32 s9, $0xF7A;
	s5 =	simm.s32 @!p2 $0x0  }
0x1d: {  	s5 =	simm.s32 @p1 $0x1;
	p0 =	seq.s32 s7, s2  }
0x1e: {  	s7 =	smul.u32 @!p0 $0xF7A, s2;
	p2 =	seq.s32 @!p0 s5, $0x0  }
0x1f: {  	s9 =	smul.u32 $0xF7A, s1;
	s8 =	simm.s32 @!p0 $0x1BF5;
	p2 =	por !p2, p0  }
0x20: {  	[sflag:s8] =	ssyncset.s32 @!p0 $0xFFFFF086;
	s6 =	sadd.s32 @!p0 s3, s7;
	s7 =	simm.s32 @!p0 $0x108  }
0x21: {  	s3 =	sadd.s32 s3, s9;
	s6 =	sadd.s32 @!p0 $0x88, s6;
	s7 =	simm.s32 @p2 $0x1082  }
0x22: {  	[simem:s7], [sflag:s8] =	dma.local @!p0 [hbm:s6], $0xF7A  }
0x23: {  	s9 =	sor.u32 $0xD0000000, s2;
	s6 =	simm.s32 $0x108;
	_ =	swait.ge @!p0 [sflag:s8], $0x0  }
0x24: {  	s3 =	sadd.s32 $0x88, s3;
	s6 =	simm.s32 @!p1 $0x1082;
	[sflag:s4] =	ssyncset.s32 $0xFFFFF086  }
0x25: {  	[simem:s6], [sflag:s4] =	dma.local [hbm:s3], $0xF7A  }
0x26: {  	[smem:$0x3F96] =	sst s1;
	(tag) =	ssettag s2;
	_ =	strace s9  }
0x27: {  	s1 =	sld [smem:$0x3FA6]  }
0x28: {  	s2 =	sld [smem:$0x3FA7]  }
0x29: {  	s4 =	sld [smem:$0x3FA9]  }
0x2a: {  	p0 =	seq.s32 s5, $0x0;
	s5 =	sld [smem:$0x3FAA]  }
0x2b: {  	s6 =	sld [smem:$0x3FAB]  }
0x2c: {  	s7 =	sld [smem:$0x3FAC]  }
0x2d: {  	s3 =	simm.s32 $0x108;
	s8 =	sld [smem:$0x3FAD]  }
0x2e: {  	s3 =	simm.s32 @!p0 $0x1082;
	s9 =	sld [smem:$0x3FAE]  }
0x2f: {  	lr =	sadd.s32 s0, s3;
	s0 =	sld [smem:$0x3FA5]  }
0x30: {  	s3 =	sld [smem:$0x3FA8]  }
0x31: {  	[smem:$0x3FB1] =	sst s10  }
0x32: {  	s10 =	sld [smem:$0x3FAF];
	_ =	sdelay $0x3  }
0x33: {  	p0 =	seq.s32 s10, $0x1;
	s10 =	sld [smem:$0x3FB1];
	_ =	sdelay $0x3  }
0x34: {  	[smem:$0x3FB1] =	sst s10  }
0x35: {  	s10 =	sld [smem:$0x3FB0];
	_ =	sdelay $0x3  }
0x36: {  	p1 =	seq.s32 s10, $0x1;
	s10 =	sld [smem:$0x3FB1];
	_ =	sdelay $0x3  }
0x37: {  	[smem:$0x3FB1] =	sst s10  }
0x38: {  	s10 =	sld [smem:$0x3FB2]  }
0x39: {  	_ = 	snop;
	(pc) =	sbr.ind lr, $3  }
0x3a: {  	_ = 	snop  }
0x3b: {  	_ = 	snop  }
0x3c: {  	p2 =	seq.s32 s10, $0x1;
	s10 =	sld [smem:$0x3FB1]  }
0x3d: {  	_ =	shalt  }
0x3e: {  	_ =	shalt  }
0x3f: {  	_ =	shalt  }
0x40: {  	_ =	shalt  }
0x41: {  	_ =	shalt  }
0x42: {  	_ =	shalt  }
0x43: {  	_ =	shalt  }
0x44: {  	_ =	shalt  }
0x45: {  	_ =	shalt  }
0x46: {  	_ =	shalt  }
0x47: {  	_ =	shalt  }
0x48: {  	_ =	shalt  }
0x49: {  	_ =	shalt  }
0x4a: {  	_ =	shalt  }
0x4b: {  	_ =	shalt  }
0x4c: {  	_ =	shalt  }
0x4d: {  	_ =	shalt  }
0x4e: {  	_ =	shalt  }
0x4f: {  	_ =	shalt  }
0x50: {  	_ =	shalt  }
0x51: {  	_ =	shalt  }
0x52: {  	_ =	shalt  }
0x53: {  	_ =	shalt  }
0x54: {  	_ =	shalt  }
0x55: {  	_ =	shalt  }
0x56: {  	_ =	shalt  }
0x57: {  	_ =	shalt  }
0x58: {  	_ =	shalt  }
0x59: {  	_ =	shalt  }
0x5a: {  	_ =	shalt  }
0x5b: {  	_ =	shalt  }
0x5c: {  	_ =	shalt  }
0x5d: {  	_ =	shalt  }
0x5e: {  	_ =	shalt  }
0x5f: {  	_ =	shalt  }
0x60: {  	_ =	shalt  }
0x61: {  	_ =	shalt  }
0x62: {  	_ =	shalt  }
0x63: {  	_ =	shalt  }
0x64: {  	_ =	shalt  }
0x65: {  	_ =	shalt  }
0x66: {  	_ =	shalt  }
0x67: {  	_ =	shalt  }
0x68: {  	_ =	shalt  }
0x69: {  	_ =	shalt  }
0x6a: {  	_ =	shalt  }
0x6b: {  	_ =	shalt  }
0x6c: {  	_ =	shalt  }
0x6d: {  	_ =	shalt  }
0x6e: {  	_ =	shalt  }
0x6f: {  	_ =	shalt  }
0x70: {  	_ =	shalt  }
0x71: {  	_ =	shalt  }
0x72: {  	_ =	shalt  }
0x73: {  	_ =	shalt  }
0x74: {  	_ =	shalt  }
0x75: {  	_ =	shalt  }
0x76: {  	_ =	shalt  }
0x77: {  	_ =	shalt  }
0x78: {  	_ =	shalt  }
0x79: {  	_ =	shalt  }
0x7a: {  	_ =	shalt  }
0x7b: {  	_ =	shalt  }
0x7c: {  	_ =	shalt  }
0x7d: {  	_ =	shalt  }
0x7e: {  	_ =	shalt  }
0x7f: {  	_ =	shalt  }
0x80: {  	_ =	shalt  }
0x81: {  	_ =	shalt  }
0x82: {  	_ =	shalt  }
0x83: {  	_ =	shalt  }
0x84: {  	_ =	shalt  }
0x85: {  	_ =	shalt  }
0x86: {  	_ =	shalt  }
0x87: {  	_ =	shalt  }
.Lfunc_end0:
.L_simem_size_0:
called_computation_lowered:
.L_overlay_start_0:
0x88: {  	s2 =	sld [smem:$0x3FD9]  }
0x89: {  	s3 =	sld [smem:$0x3FFE];
	_ =	sdelay $0x1  }
0x8a: {  	s1 =	srdreg.scid  }
0x8b: {  	s0 =	sand.u32 $0x1, s1  }
0x8c: {  	s16 =	sshll.u32 s0, $0xA;
	s2 =	sadd.s32 s3, s2  }
0x8d: {  	s2 =	sadd.s32 s2, s16  }
0x8e: {  	[smem:$0x3FBD] =	sst s2  }
0x8f: {  	_ = 	snop  }
0x90: {  	(tm) =	ssettm $0x1  }
0x91: {  	s17 =	sld [smem:$0x3FFB];
	_ =	sdelay $0x3  }
0x92: {  	_ =	strace s17  }
0x93: {  	s2 =	sld [smem:$0x3FFC];
	_ =	sdelay $0x3  }
0x94: {  	_ =	strace s2  }
0x95: {  	s2 =	sld [smem:$0x3FFD];
	_ =	sdelay $0x3  }
0x96: {  	_ =	strace s2  }
0x97: {  	_ =	strace $0x8FFFFFFF  }
0x98: {  	s18 =	sld [smem:$0x3FDB];
	_ =	sdelay $0x1  }
0x99: {  	s19 =	simm.s32 $_scs_section_size  }
0x9a: {  	s4 =	simm.s32 $_size__tile_overlayer_lowered;
	s5 =	simm.s32 $_tile_overlayer_lowered  }
0x9b: {  	s22 =	simm.s32 $0x1BFF;
	s21 =	sshll.u32 s5, $0x1;
	s2 =	sadd.s32 s19, s18  }
0x9c: {  	s6 =	simm.s32 $0x0;
	s20 =	sshll.u32 s4, $0x1;
	s4 =	sadd.s32 s21, s2  }
0x9d: {  	[timem:s6], [sflag:s22] =	dma.local [hbm:s4], s20  }
0x9e: {  	_ =	swait.ge [sflag:s22], s20  }
0x9f: {  	s3 =	ssub.s32 $0x0, s20;
	[sflag:s22] =	ssyncset.done $0x0  }
0xa0: {  	[sflag:s22] =	ssyncadd.s32 s3;
	_ =	sdelay $0x1  }
0xa1: {  	s23 =	simm.s32 $0x1B8B  }
0xa2: {  	_ =	swait.ge [sflag:s23], $0x1  }
0xa3: {  	[sflag:s23] =	ssyncset.done $0x0  }
0xa4: {  	s25 =	simm.s32 $0x1B8E;
	s24 =	sld [smem:$0x3FFE];
	[sflag:s23] =	ssyncadd.s32 $0xFFFFFFFF  }
0xa5: {  	s26 =	simm.s32 $execute0_lowered;
	[smem:$0x3FD2] =	sst s25  }
0xa6: {  	s4 =	sshll.u32 s26, $0x1;
	_ =	strace $0x80000046;
	[dreg:$0x1] =	wrdreg $0xFFFFFFFF  }
0xa7: {  	s28 =	simm.s32 $_size_execute0_lowered;
	s2 =	sadd.s32 s2, s4;
	[dreg:$0x0] =	wrdreg $0x0  }
0xa8: {  	s4 =	sshll.u32 s28, $0x1;
	[dreg:$0x2] =	wrdreg s2  }
0xa9: {  	[dreg:$0x3] =	wrdreg s4  }
0xaa: {  	[dreg:$0x4] =	wrdreg $0xC0  }
0xab: {  	_ =	task [dreg:s6], $0x5FFFF  }
0xac: {  	[dreg:$0x1] =	wrdreg $0xFFFFFFFF  }
0xad: {  	[dreg:$0x0] =	wrdreg $0x60  }
0xae: {  	[dreg:$0x2] =	wrdreg s24  }
0xaf: {  	[dreg:$0x3] =	wrdreg $0x41000  }
0xb0: {  	[dreg:$0x4] =	wrdreg $0x9  }
0xb1: {  	_ =	task.clear_ibuf [dreg:s6], $0x5FFFF;
	_ =	strace $0x90000046  }
0xb2: {  	s29 =	simm.s32 $0x9;
	_ =	strace $0x80000048  }
0xb3: {  	_ =	swait.ge [sflag:s29], $0x1  }
0xb4: {  	[sflag:s29] =	ssyncadd.s32 $0xFFFFFFFF  }
0xb5: {  	_ =	strace $0x90000048  }
0xb6: {  	_ =	sfence  }
0xb7: {  	s30 =	sld [smem:$0x0];
	_ =	sdelay $0x2  }
0xb8: {  	s31 =	sshll.u32 s1, $0xD;
	s1 =	sshrl.u32 s1, $0x2  }
0xb9: {  	s3 =	sand.u32 $0x4000, s31;
	s1 =	sadd.s32 s1, s30  }
0xba: {  	s0 =	sor.u32 s3, s0;
	s1 =	sshll.u32 s1, $0x11  }
0xbb: {  	s0 =	sor.u32 s1, s0  }
0xbc: {  	s0 =	sadd.s32 $0x8F2B, s0  }
0xbd: {  	[sflag:s0] =	ssyncadd.remote.s32 $0x1  }
0xbe: {  	_ =	sfence.sel $0xFFFF  }
0xbf: {  	[dreg:$0x0] =	wrdreg $0xFFFFFFFF;
	(pc) =	sbr.abs _section_cstart, $3  }
0xc0: {  	[dreg:$0x1] =	wrdreg $0xFFFFFFFF  }
0xc1: {  	_ =	task.clear_ibuf [dreg:s6], $0x2FFFF;
	_ =	strace $0x9FFFFFFF  }
0xc2: {  	(tm) =	ssettm $0x7FFFFFFF  }
0xc3: {  	_ =	shalt  }
tec
execute0_lowered:
.L_overlay_start_1:
0x0: {  	(tag) =	ssettag $0x1  }
0x1: {  	s5 =	rddreg [dreg:$0x0];
	s0 =	srdreg.scid  }
0x2: {  	s2 =	rddreg [dreg:$0x1];
	s1 =	stileid.u32;
	s3 =	simm.s32 $0x0  }
0x3: {  	s13 =	simm.s32 $0x80;
	s14 =	simm.s32 $0x100;
	s8 =	smul.u32 $0x2780, s1  }
0x4: {  	s15 =	simm.s32 $0x1;
	s16 =	simm.s32 $0x0;
	s26 =	smul.u32 $0x4F000, s1  }
0x5: {  	s6 =	sand.u32 $0x1, s0;
	s0 =	rddreg [dreg:$0x2];
	s30 =	smul.u32 $0x4F0, s1  }
0x6: {  	[smem:$0x7FF] =	sst s3;
	s4 =	sadd.s32 $0x40000, s5;
	s7 =	smul.u32 $0x4F00, s6  }
0x7: {  	s31 =	sshll.u32 s1, $0x6;
	s9 =	smul.u32 $0x27800, s6;
	s6 =	ssub.s32 $0x2, s6  }
0x8: {  	_ =	strace $0x80000047;
	s28 =	sshrl.u32 s6, $0x1;
	s29 =	sshrl.u32 s26, $0x2  }
0x9: {  	s10 =	sadd.s32 s7, s5;
	s25 =	sadd.s32 s8, s9;
	s8 =	sadd.s32 s8, s5  }
0xa: {  	s11 =	ssub.s32 s6, s28;
	s12 =	sadd.s32 s29, s2;
	s6 =	sor.u32 $0x1C02, s31  }
0xb: {  	s7 =	sadd.s32 s25, s5;
	s5 =	sadd.s32 $0x18800, s8;
	s10 =	sadd.s32 s30, s10  }
0xc: {  	s8 =	smax.u32 s11, $0x1;
	s11 =	sshrl.u32 s12, $0x3;
	s12 =	simm.s32 $0x2  }
0xd: {  	s7 =	sadd.s32 $0x67200, s7;
	s9 =	sadd.s32 $0xEA00, s10;
	s10 =	sadd.s32 $0x4C00, s10  }
.LBB2_1:
0xe: {  	[spmem:s11], [sflag:s6] =	dma.local [hbm:s5], $0x2780  }
0xf: {  	_ =	swait.ge [sflag:s12], $0x2780  }
0x10: {  	[sflag:s12] =	ssyncset.done $0x0  }
0x11: {  	[sflag:s12] =	ssyncadd.s32 $0xFFFFD880  }
0x12: {  	s17 =	sadd.s32 $0x0, s10;
	[bflag:$0x0] =	sbarrier.arrive $0xFFFF  }
0x13: {  	[tilespmem:s3], [sflag:$0x2] =	stream.linear.gather [hbm4b:s17+s3], $0x80, $0x38;
	[tilespmem:$0x17D00] =	vst v63  }
0x14: {  	_ =	swait.ge [sflag:s12], $0x80  }
0x15: {  	[sflag:s12] =	ssyncset.done $0x0  }
0x16: {  	s31 =	sadd.s32 $0x0, s9;
	[sflag:s12] =	ssyncadd.s32 $0xFFFFFF80  }
0x17: {  	[tilespmem:s13], [sflag:$0x2] =	stream.linear.gather [hbm4b:s31+s3], $0x80, $0x38;
	[tilespmem:$0x17D00] =	vst v63  }
0x18: {  	_ =	swait.ge [sflag:s12], $0x80  }
0x19: {  	[sflag:s12] =	ssyncset.done $0x0  }
0x1a: {  	[sflag:s12] =	ssyncadd.s32 $0xFFFFFF80  }
0x1b: {  	[tilespmem:s14], [sflag:$0x1] =	stream.indirect.gather [hbm4b:s4+s13], $0x80, s3, s13, $0xb8;
	[tilespmem:$0x17D00] =	vst v63  }
0x1c: {  	_ =	swait.ge [sflag:s15], $0x4000  }
0x1d: {  	[sflag:s15] =	ssyncset.done $0x0  }
0x1e: {  	[sflag:s15] =	ssyncadd.s32 $0xFFFFC000  }
0x1f: {  	[spmem:s2] =	stream.indirect.scatter.add.f32 [tilespmem:s14], [sflag:$0x2], $0x80, s13, s13, $0xb8;
	[tilespmem:$0x17D00] =	vst v63  }
0x20: {  	_ =	swait.ge [sflag:s12], $0x4000  }
0x21: {  	s18 =	simm.s32 $0x20;
	s17 =	simm.s32 $0x10;
	[sflag:s12] =	ssyncset.done $0x0  }
.LBB2_2:
0x22: {  	s19 =	sadd.s32 s17, s10  }
0x23: {  	[sflag:s12] =	ssyncadd.s32 $0xFFFFC000;
	s20 =	smov.u32 s18;
	s21 =	sadd.s32 $0x10, s18  }
0x24: {  	[tilespmem:s3], [sflag:$0x2] =	stream.linear.gather [hbm4b:s19+s3], $0x80, $0x38;
	[tilespmem:$0x17D00] =	vst v63  }
0x25: {  	p0 =	sne.s32 s18, $0x4E0;
	_ =	swait.ge [sflag:s12], $0x80  }
0x26: {  	[sflag:s12] =	ssyncset.done $0x0  }
0x27: {  	s18 =	sadd.s32 s17, s9;
	s17 =	smov.u32 s20;
	[sflag:s12] =	ssyncadd.s32 $0xFFFFFF80  }
0x28: {  	[tilespmem:s13], [sflag:$0x2] =	stream.linear.gather [hbm4b:s18+s3], $0x80, $0x38;
	[tilespmem:$0x17D00] =	vst v63  }
0x29: {  	_ =	swait.ge [sflag:s12], $0x80  }
0x2a: {  	[sflag:s12] =	ssyncset.done $0x0  }
0x2b: {  	[sflag:s12] =	ssyncadd.s32 $0xFFFFFF80  }
0x2c: {  	[tilespmem:s14], [sflag:$0x1] =	stream.indirect.gather [hbm4b:s4+s13], $0x80, s3, s13, $0xb8;
	[tilespmem:$0x17D00] =	vst v63  }
0x2d: {  	_ =	swait.ge [sflag:s15], $0x4000  }
.Ltmp0:
0x2e: {  	[sflag:s15] =	ssyncset.done $0x0;
	(pc) =	sbr.rel @p0 .LBB2_2-.Ltmp0, $4  }
0x2f: {  	[sflag:s15] =	ssyncadd.s32 $0xFFFFC000  }
0x30: {  	[spmem:s2] =	stream.indirect.scatter.add.f32 [tilespmem:s14], [sflag:$0x2], $0x80, s13, s13, $0xb8;
	[tilespmem:$0x17D00] =	vst v63  }
0x31: {  	_ =	swait.ge [sflag:s12], $0x4000  }
0x32: {  	s18 =	smov.u32 s21;
	[sflag:s12] =	ssyncset.done $0x0  }
0x33: {  	s18 =	sadd.s32 s17, s10;
	[sflag:s12] =	ssyncadd.s32 $0xFFFFC000  }
0x34: {  	[tilespmem:s3], [sflag:$0x2] =	stream.linear.gather [hbm4b:s18+s3], $0x80, $0x38;
	[tilespmem:$0x17D00] =	vst v63  }
0x35: {  	_ =	swait.ge [sflag:s12], $0x80  }
0x36: {  	[sflag:s12] =	ssyncset.done $0x0  }
0x37: {  	s31 =	sadd.s32 s17, s9;
	[sflag:s12] =	ssyncadd.s32 $0xFFFFFF80  }
0x38: {  	[tilespmem:s13], [sflag:$0x2] =	stream.linear.gather [hbm4b:s31+s3], $0x80, $0x38;
	[tilespmem:$0x17D00] =	vst v63  }
0x39: {  	_ =	swait.ge [sflag:s12], $0x80  }
0x3a: {  	[sflag:s12] =	ssyncset.done $0x0  }
0x3b: {  	[sflag:s12] =	ssyncadd.s32 $0xFFFFFF80  }
0x3c: {  	[tilespmem:s14], [sflag:$0x1] =	stream.indirect.gather [hbm4b:s4+s13], $0x80, s3, s13, $0xb8;
	[tilespmem:$0x17D00] =	vst v63  }
0x3d: {  	_ =	swait.ge [sflag:s15], $0x4000  }
0x3e: {  	[sflag:s15] =	ssyncset.done $0x0  }
0x3f: {  	[sflag:s15] =	ssyncadd.s32 $0xFFFFC000  }
0x40: {  	[spmem:s2] =	stream.indirect.scatter.add.f32 [tilespmem:s14], [sflag:$0x2], $0x80, s13, s13, $0xb8;
	[tilespmem:$0x17D00] =	vst v63  }
0x41: {  	_ =	swait.ge [sflag:s12], $0x4000  }
0x42: {  	s16 =	sadd.s32 $0x1, s16;
	[sflag:s12] =	ssyncset.done $0x0  }
0x43: {  	p0 =	sne.s32 s16, s8;
	[sflag:s12] =	ssyncadd.s32 $0xFFFFC000  }
.Ltmp1:
0x44: {  	[bflag:$0x0] =	sbarrier.arrive $0xFFFF;
	(pc) =	sbr.rel @p0 .LBB2_1-.Ltmp1, $4  }
0x45: {  	[hbm:s7], [sflag:s6] =	dma.local [spmem:s11], $0x2780  }
0x46: {  	_ =	swait.ge [sflag:s12], $0x2780  }
0x47: {  	[sflag:s12] =	ssyncset.done $0x0  }
0x48: {  	[sflag:s12] =	ssyncadd.s32 $0xFFFFD880  }
0x49: {  	_ =	sfence.sel $0x180000  }
0x4a: {  	[bflag:$0x0] =	sbarrier.arrive $0xFFFF  }
0x4b: {  	p0 =	sne.s32 s1, $0x0;
	_ =	strace $0x90000047  }
0x4c: {  	s0 =	sadd.s32 @!p0 $0x100000, s0;
	[bflag:$0x2] =	sbarrier.arrive $0xFFFF  }
0x4d: {  	[sflag:s0] =	ssyncadd.tile.s32 @!p0 $0x1;
	_ =	shalt  }
.Lfunc_end2:
_tile_overlayer_lowered:
.L_overlay_start_2:
0x4e: {  	(tag) =	ssettag $0x2  }
0x4f: {  	s0 =	rddreg [dreg:$0x0];
	s2 =	stileid.u32  }
0x50: {  	s1 =	rddreg [dreg:$0x1];
	p0 =	sne.s32 s2, $0x0  }
0x51: {  	s3 =	rddreg [dreg:$0x2];
	[bflag:$0x3] =	sbarrier.arrive $0xFFFF;
	s2 =	simm.s32 @!p0 $0x1C02  }
0x52: {  	[timem:s3], [sflag:s2] =	dma.local @!p0 [hbm:s0], s1  }
0x53: {  	s0 =	simm.s32 @!p0 $0x2  }
0x54: {  	_ =	swait.ge @!p0 [sflag:s0], s1  }
0x55: {  	s1 =	ssub.s32 @!p0 $0x0, s1;
	[sflag:s0] =	ssyncset.done @!p0 $0x0  }
0x56: {  	[sflag:s0] =	ssyncadd.s32 @!p0 s1  }
0x57: {  	[bflag:$0x3] =	sbarrier.arrive $0xFFFF  }
0x58: {  	_ =	shalt  }

// kernel: kernel.13.cloned.1.call-start
scs
__scs_entry_jumppad:
0x0: {  	(pc) =	sbr.rel $0x88, $3  }
0x1: {  	(tag) =	ssettag $0x0;
	lr =	simm.s32 $0x1  }
0x2: {  	[smem:$0x3F96] =	sst lr;
	_ =	strace $0xD0000000  }
0x3: {  	_ = 	snop  }
0x4: {  	_ = 	snop  }
0x5: {  	_ = 	snop  }
0x6: {  	_ = 	snop  }
0x7: {  	_ = 	snop  }
__scs_overlays_trampoline_lowered:
0x8: {  	[smem:$0x3FA5] =	sst s0  }
0x9: {  	[smem:$0x3FA6] =	sst s1  }
0xa: {  	[smem:$0x3FA7] =	sst s2  }
0xb: {  	[smem:$0x3FA8] =	sst s3  }
0xc: {  	[smem:$0x3FA9] =	sst s4  }
0xd: {  	[smem:$0x3FAA] =	sst s5  }
0xe: {  	[smem:$0x3FAB] =	sst s6  }
0xf: {  	[smem:$0x3FAC] =	sst s7  }
0x10: {  	[smem:$0x3FAD] =	sst s8  }
0x11: {  	[smem:$0x3FAE] =	sst s9;
	s0 =	simm.s32 @!p0 $0x0  }
0x12: {  	s1 =	sld [smem:$0x3F94];
	s0 =	simm.s32 @p0 $0x1  }
0x13: {  	[smem:$0x3FAF] =	sst s0;
	s0 =	simm.s32 @!p1 $0x0  }
0x14: {  	s2 =	sld [smem:$0x3F93];
	s0 =	simm.s32 @p1 $0x1  }
0x15: {  	[smem:$0x3FB0] =	sst s0;
	s0 =	simm.s32 @!p2 $0x0  }
0x16: {  	s3 =	sld [smem:$0x3FDB];
	s0 =	simm.s32 @p2 $0x1  }
0x17: {  	s4 =	simm.s32 $0x1BF5;
	[smem:$0x3FB2] =	sst s0  }
0x18: {  	s0 =	sld [smem:$0x3F95];
	_ =	swait.ge [sflag:s4], $0x0  }
0x19: {  	s7 =	sld [smem:$0x3F96]  }
0x1a: {  	s8 =	sadd.s32 $0xFFFFE003, lr  }
0x1b: {  	s9 =	sadd.s32 $0xFFFFFEF7, lr;
	s5 =	simm.s32 $0xFFFFFFFF;
	p2 =	slt.u32 s8, $0xFFFFF086  }
0x1c: {  	p1 =	slt.u32 s9, $0xF7A;
	s5 =	simm.s32 @!p2 $0x0  }
0x1d: {  	s5 =	simm.s32 @p1 $0x1;
	p0 =	seq.s32 s7, s2  }
0x1e: {  	s7 =	smul.u32 @!p0 $0xF7A, s2;
	p2 =	seq.s32 @!p0 s5, $0x0  }
0x1f: {  	s9 =	smul.u32 $0xF7A, s1;
	s8 =	simm.s32 @!p0 $0x1BF5;
	p2 =	por !p2, p0  }
0x20: {  	[sflag:s8] =	ssyncset.s32 @!p0 $0xFFFFF086;
	s6 =	sadd.s32 @!p0 s3, s7;
	s7 =	simm.s32 @!p0 $0x108  }
0x21: {  	s3 =	sadd.s32 s3, s9;
	s6 =	sadd.s32 @!p0 $0x88, s6;
	s7 =	simm.s32 @p2 $0x1082  }
0x22: {  	[simem:s7], [sflag:s8] =	dma.local @!p0 [hbm:s6], $0xF7A  }
0x23: {  	s9 =	sor.u32 $0xD0000000, s2;
	s6 =	simm.s32 $0x108;
	_ =	swait.ge @!p0 [sflag:s8], $0x0  }
0x24: {  	s3 =	sadd.s32 $0x88, s3;
	s6 =	simm.s32 @!p1 $0x1082;
	[sflag:s4] =	ssyncset.s32 $0xFFFFF086  }
0x25: {  	[simem:s6], [sflag:s4] =	dma.local [hbm:s3], $0xF7A  }
0x26: {  	[smem:$0x3F96] =	sst s1;
	(tag) =	ssettag s2;
	_ =	strace s9  }
0x27: {  	s1 =	sld [smem:$0x3FA6]  }
0x28: {  	s2 =	sld [smem:$0x3FA7]  }
0x29: {  	s4 =	sld [smem:$0x3FA9]  }
0x2a: {  	p0 =	seq.s32 s5, $0x0;
	s5 =	sld [smem:$0x3FAA]  }
0x2b: {  	s6 =	sld [smem:$0x3FAB]  }
0x2c: {  	s7 =	sld [smem:$0x3FAC]  }
0x2d: {  	s3 =	simm.s32 $0x108;
	s8 =	sld [smem:$0x3FAD]  }
0x2e: {  	s3 =	simm.s32 @!p0 $0x1082;
	s9 =	sld [smem:$0x3FAE]  }
0x2f: {  	lr =	sadd.s32 s0, s3;
	s0 =	sld [smem:$0x3FA5]  }
0x30: {  	s3 =	sld [smem:$0x3FA8]  }
0x31: {  	[smem:$0x3FB1] =	sst s10  }
0x32: {  	s10 =	sld [smem:$0x3FAF];
	_ =	sdelay $0x3  }
0x33: {  	p0 =	seq.s32 s10, $0x1;
	s10 =	sld [smem:$0x3FB1];
	_ =	sdelay $0x3  }
0x34: {  	[smem:$0x3FB1] =	sst s10  }
0x35: {  	s10 =	sld [smem:$0x3FB0];
	_ =	sdelay $0x3  }
0x36: {  	p1 =	seq.s32 s10, $0x1;
	s10 =	sld [smem:$0x3FB1];
	_ =	sdelay $0x3  }
0x37: {  	[smem:$0x3FB1] =	sst s10  }
0x38: {  	s10 =	sld [smem:$0x3FB2]  }
0x39: {  	_ = 	snop;
	(pc) =	sbr.ind lr, $3  }
0x3a: {  	_ = 	snop  }
0x3b: {  	_ = 	snop  }
0x3c: {  	p2 =	seq.s32 s10, $0x1;
	s10 =	sld [smem:$0x3FB1]  }
0x3d: {  	_ =	shalt  }
0x3e: {  	_ =	shalt  }
0x3f: {  	_ =	shalt  }
0x40: {  	_ =	shalt  }
0x41: {  	_ =	shalt  }
0x42: {  	_ =	shalt  }
0x43: {  	_ =	shalt  }
0x44: {  	_ =	shalt  }
0x45: {  	_ =	shalt  }
0x46: {  	_ =	shalt  }
0x47: {  	_ =	shalt  }
0x48: {  	_ =	shalt  }
0x49: {  	_ =	shalt  }
0x4a: {  	_ =	shalt  }
0x4b: {  	_ =	shalt  }
0x4c: {  	_ =	shalt  }
0x4d: {  	_ =	shalt  }
0x4e: {  	_ =	shalt  }
0x4f: {  	_ =	shalt  }
0x50: {  	_ =	shalt  }
0x51: {  	_ =	shalt  }
0x52: {  	_ =	shalt  }
0x53: {  	_ =	shalt  }
0x54: {  	_ =	shalt  }
0x55: {  	_ =	shalt  }
0x56: {  	_ =	shalt  }
0x57: {  	_ =	shalt  }
0x58: {  	_ =	shalt  }
0x59: {  	_ =	shalt  }
0x5a: {  	_ =	shalt  }
0x5b: {  	_ =	shalt  }
0x5c: {  	_ =	shalt  }
0x5d: {  	_ =	shalt  }
0x5e: {  	_ =	shalt  }
0x5f: {  	_ =	shalt  }
0x60: {  	_ =	shalt  }
0x61: {  	_ =	shalt  }
0x62: {  	_ =	shalt  }
0x63: {  	_ =	shalt  }
0x64: {  	_ =	shalt  }
0x65: {  	_ =	shalt  }
0x66: {  	_ =	shalt  }
0x67: {  	_ =	shalt  }
0x68: {  	_ =	shalt  }
0x69: {  	_ =	shalt  }
0x6a: {  	_ =	shalt  }
0x6b: {  	_ =	shalt  }
0x6c: {  	_ =	shalt  }
0x6d: {  	_ =	shalt  }
0x6e: {  	_ =	shalt  }
0x6f: {  	_ =	shalt  }
0x70: {  	_ =	shalt  }
0x71: {  	_ =	shalt  }
0x72: {  	_ =	shalt  }
0x73: {  	_ =	shalt  }
0x74: {  	_ =	shalt  }
0x75: {  	_ =	shalt  }
0x76: {  	_ =	shalt  }
0x77: {  	_ =	shalt  }
0x78: {  	_ =	shalt  }
0x79: {  	_ =	shalt  }
0x7a: {  	_ =	shalt  }
0x7b: {  	_ =	shalt  }
0x7c: {  	_ =	shalt  }
0x7d: {  	_ =	shalt  }
0x7e: {  	_ =	shalt  }
0x7f: {  	_ =	shalt  }
0x80: {  	_ =	shalt  }
0x81: {  	_ =	shalt  }
0x82: {  	_ =	shalt  }
0x83: {  	_ =	shalt  }
0x84: {  	_ =	shalt  }
0x85: {  	_ =	shalt  }
0x86: {  	_ =	shalt  }
0x87: {  	_ =	shalt  }
.Lfunc_end0:
.L_simem_size_0:
called_computation.1_lowered:
.L_overlay_start_0:
0x88: {  	s2 =	sld [smem:$0x3FD9]  }
0x89: {  	s3 =	sld [smem:$0x3FFE];
	_ =	sdelay $0x1  }
0x8a: {  	s1 =	srdreg.scid  }
0x8b: {  	s0 =	sand.u32 $0x1, s1  }
0x8c: {  	s16 =	sshll.u32 s0, $0xA;
	s2 =	sadd.s32 s3, s2  }
0x8d: {  	s2 =	sadd.s32 s2, s16  }
0x8e: {  	[smem:$0x3FBD] =	sst s2  }
0x8f: {  	_ = 	snop  }
0x90: {  	(tm) =	ssettm $0x1  }
0x91: {  	s17 =	sld [smem:$0x3FFB];
	_ =	sdelay $0x3  }
0x92: {  	_ =	strace s17  }
0x93: {  	s2 =	sld [smem:$0x3FFC];
	_ =	sdelay $0x3  }
0x94: {  	_ =	strace s2  }
0x95: {  	s2 =	sld [smem:$0x3FFD];
	_ =	sdelay $0x3  }
0x96: {  	_ =	strace s2  }
0x97: {  	_ =	strace $0x8FFFFFFF  }
0x98: {  	s18 =	sld [smem:$0x3FDB];
	_ =	sdelay $0x1  }
0x99: {  	s19 =	simm.s32 $_scs_section_size  }
0x9a: {  	s4 =	simm.s32 $_size__tile_overlayer_lowered;
	s5 =	simm.s32 $_tile_overlayer_lowered  }
0x9b: {  	s22 =	simm.s32 $0x1BFF;
	s21 =	sshll.u32 s5, $0x1;
	s2 =	sadd.s32 s19, s18  }
0x9c: {  	s6 =	simm.s32 $0x0;
	s20 =	sshll.u32 s4, $0x1;
	s4 =	sadd.s32 s21, s2  }
0x9d: {  	[timem:s6], [sflag:s22] =	dma.local [hbm:s4], s20  }
0x9e: {  	_ =	swait.ge [sflag:s22], s20  }
0x9f: {  	s3 =	ssub.s32 $0x0, s20;
	[sflag:s22] =	ssyncset.done $0x0  }
0xa0: {  	[sflag:s22] =	ssyncadd.s32 s3;
	_ =	sdelay $0x1  }
0xa1: {  	s23 =	simm.s32 $0x1B8B  }
0xa2: {  	_ =	swait.ge [sflag:s23], $0x1  }
0xa3: {  	[sflag:s23] =	ssyncset.done $0x0  }
0xa4: {  	s25 =	simm.s32 $0x1B8E;
	s24 =	sld [smem:$0x3FFE];
	[sflag:s23] =	ssyncadd.s32 $0xFFFFFFFF  }
0xa5: {  	s26 =	simm.s32 $execute0_lowered;
	[smem:$0x3FD2] =	sst s25  }
0xa6: {  	s4 =	sshll.u32 s26, $0x1;
	_ =	strace $0x80000049;
	[dreg:$0x1] =	wrdreg $0xFFFFFFFF  }
0xa7: {  	s28 =	simm.s32 $_size_execute0_lowered;
	s2 =	sadd.s32 s2, s4;
	[dreg:$0x0] =	wrdreg $0x0  }
0xa8: {  	s4 =	sshll.u32 s28, $0x1;
	[dreg:$0x2] =	wrdreg s2  }
0xa9: {  	[dreg:$0x3] =	wrdreg s4  }
0xaa: {  	[dreg:$0x4] =	wrdreg $0xC0  }
0xab: {  	_ =	task [dreg:s6], $0x5FFFF  }
0xac: {  	[dreg:$0x1] =	wrdreg $0xFFFFFFFF  }
0xad: {  	[dreg:$0x0] =	wrdreg $0x60  }
0xae: {  	[dreg:$0x2] =	wrdreg s24  }
0xaf: {  	[dreg:$0x3] =	wrdreg $0x41000  }
0xb0: {  	[dreg:$0x4] =	wrdreg $0x9  }
0xb1: {  	_ =	task.clear_ibuf [dreg:s6], $0x5FFFF;
	_ =	strace $0x90000049  }
0xb2: {  	s29 =	simm.s32 $0x9;
	_ =	strace $0x8000004B  }
0xb3: {  	_ =	swait.ge [sflag:s29], $0x1  }
0xb4: {  	[sflag:s29] =	ssyncadd.s32 $0xFFFFFFFF  }
0xb5: {  	_ =	strace $0x9000004B  }
0xb6: {  	_ =	sfence  }
0xb7: {  	s30 =	sld [smem:$0x0];
	_ =	sdelay $0x2  }
0xb8: {  	s31 =	sshll.u32 s1, $0xD;
	s1 =	sshrl.u32 s1, $0x2  }
0xb9: {  	s3 =	sand.u32 $0x4000, s31;
	s1 =	sadd.s32 s1, s30  }
0xba: {  	s0 =	sor.u32 s3, s0;
	s1 =	sshll.u32 s1, $0x11  }
0xbb: {  	s0 =	sor.u32 s1, s0  }
0xbc: {  	s0 =	sadd.s32 $0x8F2B, s0  }
0xbd: {  	[sflag:s0] =	ssyncadd.remote.s32 $0x1  }
0xbe: {  	_ =	sfence.sel $0xFFFF  }
0xbf: {  	[dreg:$0x0] =	wrdreg $0xFFFFFFFF;
	(pc) =	sbr.abs _section_cstart, $3  }
0xc0: {  	[dreg:$0x1] =	wrdreg $0xFFFFFFFF  }
0xc1: {  	_ =	task.clear_ibuf [dreg:s6], $0x2FFFF;
	_ =	strace $0x9FFFFFFF  }
0xc2: {  	(tm) =	ssettm $0x7FFFFFFF  }
0xc3: {  	_ =	shalt  }
tec
execute0_lowered:
.L_overlay_start_1:
0x0: {  	(tag) =	ssettag $0x1  }
0x1: {  	s5 =	rddreg [dreg:$0x0];
	s0 =	srdreg.scid  }
0x2: {  	s2 =	rddreg [dreg:$0x1];
	s1 =	stileid.u32;
	s3 =	simm.s32 $0x0  }
0x3: {  	s13 =	simm.s32 $0x80;
	s14 =	simm.s32 $0x100;
	s8 =	smul.u32 $0x2780, s1  }
0x4: {  	s15 =	simm.s32 $0x1;
	s16 =	simm.s32 $0x0;
	s26 =	smul.u32 $0x4F000, s1  }
0x5: {  	s6 =	sand.u32 $0x1, s0;
	s0 =	rddreg [dreg:$0x2];
	s30 =	smul.u32 $0x4F0, s1  }
0x6: {  	[smem:$0x7FF] =	sst s3;
	s4 =	sadd.s32 $0x40000, s5;
	s7 =	smul.u32 $0x4F00, s6  }
0x7: {  	s31 =	sshll.u32 s1, $0x6;
	s9 =	smul.u32 $0x27800, s6;
	s6 =	ssub.s32 $0x2, s6  }
0x8: {  	_ =	strace $0x8000004A;
	s28 =	sshrl.u32 s6, $0x1;
	s29 =	sshrl.u32 s26, $0x2  }
0x9: {  	s10 =	sadd.s32 s7, s5;
	s25 =	sadd.s32 s8, s9;
	s8 =	sadd.s32 s8, s5  }
0xa: {  	s11 =	ssub.s32 s6, s28;
	s12 =	sadd.s32 s29, s2;
	s6 =	sor.u32 $0x1C02, s31  }
0xb: {  	s7 =	sadd.s32 s25, s5;
	s5 =	sadd.s32 $0x18800, s8;
	s10 =	sadd.s32 s30, s10  }
0xc: {  	s8 =	smax.u32 s11, $0x1;
	s11 =	sshrl.u32 s12, $0x3;
	s12 =	simm.s32 $0x2  }
0xd: {  	s7 =	sadd.s32 $0x8E400, s7;
	s9 =	sadd.s32 $0xEA00, s10;
	s10 =	sadd.s32 $0x4C00, s10  }
.LBB2_1:
0xe: {  	[spmem:s11], [sflag:s6] =	dma.local [hbm:s5], $0x2780  }
0xf: {  	_ =	swait.ge [sflag:s12], $0x2780  }
0x10: {  	[sflag:s12] =	ssyncset.done $0x0  }
0x11: {  	[sflag:s12] =	ssyncadd.s32 $0xFFFFD880  }
0x12: {  	s17 =	sadd.s32 $0x0, s10;
	[bflag:$0x0] =	sbarrier.arrive $0xFFFF  }
0x13: {  	[tilespmem:s3], [sflag:$0x2] =	stream.linear.gather [hbm4b:s17+s3], $0x80, $0x38;
	[tilespmem:$0x17D00] =	vst v63  }
0x14: {  	_ =	swait.ge [sflag:s12], $0x80  }
0x15: {  	[sflag:s12] =	ssyncset.done $0x0  }
0x16: {  	s31 =	sadd.s32 $0x0, s9;
	[sflag:s12] =	ssyncadd.s32 $0xFFFFFF80  }
0x17: {  	[tilespmem:s13], [sflag:$0x2] =	stream.linear.gather [hbm4b:s31+s3], $0x80, $0x38;
	[tilespmem:$0x17D00] =	vst v63  }
0x18: {  	_ =	swait.ge [sflag:s12], $0x80  }
0x19: {  	[sflag:s12] =	ssyncset.done $0x0  }
0x1a: {  	[sflag:s12] =	ssyncadd.s32 $0xFFFFFF80  }
0x1b: {  	[tilespmem:s14], [sflag:$0x1] =	stream.indirect.gather [hbm4b:s4+s13], $0x80, s3, s13, $0xb8;
	[tilespmem:$0x17D00] =	vst v63  }
0x1c: {  	_ =	swait.ge [sflag:s15], $0x4000  }
0x1d: {  	[sflag:s15] =	ssyncset.done $0x0  }
0x1e: {  	[sflag:s15] =	ssyncadd.s32 $0xFFFFC000  }
0x1f: {  	[spmem:s2] =	stream.indirect.scatter.add.f32 [tilespmem:s14], [sflag:$0x2], $0x80, s13, s13, $0xb8;
	[tilespmem:$0x17D00] =	vst v63  }
0x20: {  	_ =	swait.ge [sflag:s12], $0x4000  }
0x21: {  	s18 =	simm.s32 $0x20;
	s17 =	simm.s32 $0x10;
	[sflag:s12] =	ssyncset.done $0x0  }
.LBB2_2:
0x22: {  	s19 =	sadd.s32 s17, s10  }
0x23: {  	[sflag:s12] =	ssyncadd.s32 $0xFFFFC000;
	s20 =	smov.u32 s18;
	s21 =	sadd.s32 $0x10, s18  }
0x24: {  	[tilespmem:s3], [sflag:$0x2] =	stream.linear.gather [hbm4b:s19+s3], $0x80, $0x38;
	[tilespmem:$0x17D00] =	vst v63  }
0x25: {  	p0 =	sne.s32 s18, $0x4E0;
	_ =	swait.ge [sflag:s12], $0x80  }
0x26: {  	[sflag:s12] =	ssyncset.done $0x0  }
0x27: {  	s18 =	sadd.s32 s17, s9;
	s17 =	smov.u32 s20;
	[sflag:s12] =	ssyncadd.s32 $0xFFFFFF80  }
0x28: {  	[tilespmem:s13], [sflag:$0x2] =	stream.linear.gather [hbm4b:s18+s3], $0x80, $0x38;
	[tilespmem:$0x17D00] =	vst v63  }
0x29: {  	_ =	swait.ge [sflag:s12], $0x80  }
0x2a: {  	[sflag:s12] =	ssyncset.done $0x0  }
0x2b: {  	[sflag:s12] =	ssyncadd.s32 $0xFFFFFF80  }
0x2c: {  	[tilespmem:s14], [sflag:$0x1] =	stream.indirect.gather [hbm4b:s4+s13], $0x80, s3, s13, $0xb8;
	[tilespmem:$0x17D00] =	vst v63  }
0x2d: {  	_ =	swait.ge [sflag:s15], $0x4000  }
.Ltmp0:
0x2e: {  	[sflag:s15] =	ssyncset.done $0x0;
	(pc) =	sbr.rel @p0 .LBB2_2-.Ltmp0, $4  }
0x2f: {  	[sflag:s15] =	ssyncadd.s32 $0xFFFFC000  }
0x30: {  	[spmem:s2] =	stream.indirect.scatter.add.f32 [tilespmem:s14], [sflag:$0x2], $0x80, s13, s13, $0xb8;
	[tilespmem:$0x17D00] =	vst v63  }
0x31: {  	_ =	swait.ge [sflag:s12], $0x4000  }
0x32: {  	s18 =	smov.u32 s21;
	[sflag:s12] =	ssyncset.done $0x0  }
0x33: {  	s18 =	sadd.s32 s17, s10;
	[sflag:s12] =	ssyncadd.s32 $0xFFFFC000  }
0x34: {  	[tilespmem:s3], [sflag:$0x2] =	stream.linear.gather [hbm4b:s18+s3], $0x80, $0x38;
	[tilespmem:$0x17D00] =	vst v63  }
0x35: {  	_ =	swait.ge [sflag:s12], $0x80  }
0x36: {  	[sflag:s12] =	ssyncset.done $0x0  }
0x37: {  	s31 =	sadd.s32 s17, s9;
	[sflag:s12] =	ssyncadd.s32 $0xFFFFFF80  }
0x38: {  	[tilespmem:s13], [sflag:$0x2] =	stream.linear.gather [hbm4b:s31+s3], $0x80, $0x38;
	[tilespmem:$0x17D00] =	vst v63  }
0x39: {  	_ =	swait.ge [sflag:s12], $0x80  }
0x3a: {  	[sflag:s12] =	ssyncset.done $0x0  }
0x3b: {  	[sflag:s12] =	ssyncadd.s32 $0xFFFFFF80  }
0x3c: {  	[tilespmem:s14], [sflag:$0x1] =	stream.indirect.gather [hbm4b:s4+s13], $0x80, s3, s13, $0xb8;
	[tilespmem:$0x17D00] =	vst v63  }
0x3d: {  	_ =	swait.ge [sflag:s15], $0x4000  }
0x3e: {  	[sflag:s15] =	ssyncset.done $0x0  }
0x3f: {  	[sflag:s15] =	ssyncadd.s32 $0xFFFFC000  }
0x40: {  	[spmem:s2] =	stream.indirect.scatter.add.f32 [tilespmem:s14], [sflag:$0x2], $0x80, s13, s13, $0xb8;
	[tilespmem:$0x17D00] =	vst v63  }
0x41: {  	_ =	swait.ge [sflag:s12], $0x4000  }
0x42: {  	s16 =	sadd.s32 $0x1, s16;
	[sflag:s12] =	ssyncset.done $0x0  }
0x43: {  	p0 =	sne.s32 s16, s8;
	[sflag:s12] =	ssyncadd.s32 $0xFFFFC000  }
.Ltmp1:
0x44: {  	[bflag:$0x0] =	sbarrier.arrive $0xFFFF;
	(pc) =	sbr.rel @p0 .LBB2_1-.Ltmp1, $4  }
0x45: {  	[hbm:s7], [sflag:s6] =	dma.local [spmem:s11], $0x2780  }
0x46: {  	_ =	swait.ge [sflag:s12], $0x2780  }
0x47: {  	[sflag:s12] =	ssyncset.done $0x0  }
0x48: {  	[sflag:s12] =	ssyncadd.s32 $0xFFFFD880  }
0x49: {  	_ =	sfence.sel $0x180000  }
0x4a: {  	[bflag:$0x0] =	sbarrier.arrive $0xFFFF  }
0x4b: {  	p0 =	sne.s32 s1, $0x0;
	_ =	strace $0x9000004A  }
0x4c: {  	s0 =	sadd.s32 @!p0 $0x100000, s0;
	[bflag:$0x2] =	sbarrier.arrive $0xFFFF  }
0x4d: {  	[sflag:s0] =	ssyncadd.tile.s32 @!p0 $0x1;
	_ =	shalt  }
.Lfunc_end2:
_tile_overlayer_lowered:
.L_overlay_start_2:
0x4e: {  	(tag) =	ssettag $0x2  }
0x4f: {  	s0 =	rddreg [dreg:$0x0];
	s2 =	stileid.u32  }
0x50: {  	s1 =	rddreg [dreg:$0x1];
	p0 =	sne.s32 s2, $0x0  }
0x51: {  	s3 =	rddreg [dreg:$0x2];
	[bflag:$0x3] =	sbarrier.arrive $0xFFFF;
	s2 =	simm.s32 @!p0 $0x1C02  }
0x52: {  	[timem:s3], [sflag:s2] =	dma.local @!p0 [hbm:s0], s1  }
0x53: {  	s0 =	simm.s32 @!p0 $0x2  }
0x54: {  	_ =	swait.ge @!p0 [sflag:s0], s1  }
0x55: {  	s1 =	ssub.s32 @!p0 $0x0, s1;
	[sflag:s0] =	ssyncset.done @!p0 $0x0  }
0x56: {  	[sflag:s0] =	ssyncadd.s32 @!p0 s1  }
0x57: {  	[bflag:$0x3] =	sbarrier.arrive $0xFFFF  }
0x58: {  	_ =	shalt  }

// kernel: kernel.16.cloned.1.call-start
scs
__scs_entry_jumppad:
0x0: {  	(pc) =	sbr.rel $0x88, $3  }
0x1: {  	(tag) =	ssettag $0x0;
	lr =	simm.s32 $0x1  }
0x2: {  	[smem:$0x3F96] =	sst lr;
	_ =	strace $0xD0000000  }
0x3: {  	_ = 	snop  }
0x4: {  	_ = 	snop  }
0x5: {  	_ = 	snop  }
0x6: {  	_ = 	snop  }
0x7: {  	_ = 	snop  }
__scs_overlays_trampoline_lowered:
0x8: {  	[smem:$0x3FA5] =	sst s0  }
0x9: {  	[smem:$0x3FA6] =	sst s1  }
0xa: {  	[smem:$0x3FA7] =	sst s2  }
0xb: {  	[smem:$0x3FA8] =	sst s3  }
0xc: {  	[smem:$0x3FA9] =	sst s4  }
0xd: {  	[smem:$0x3FAA] =	sst s5  }
0xe: {  	[smem:$0x3FAB] =	sst s6  }
0xf: {  	[smem:$0x3FAC] =	sst s7  }
0x10: {  	[smem:$0x3FAD] =	sst s8  }
0x11: {  	[smem:$0x3FAE] =	sst s9;
	s0 =	simm.s32 @!p0 $0x0  }
0x12: {  	s1 =	sld [smem:$0x3F94];
	s0 =	simm.s32 @p0 $0x1  }
0x13: {  	[smem:$0x3FAF] =	sst s0;
	s0 =	simm.s32 @!p1 $0x0  }
0x14: {  	s2 =	sld [smem:$0x3F93];
	s0 =	simm.s32 @p1 $0x1  }
0x15: {  	[smem:$0x3FB0] =	sst s0;
	s0 =	simm.s32 @!p2 $0x0  }
0x16: {  	s3 =	sld [smem:$0x3FDB];
	s0 =	simm.s32 @p2 $0x1  }
0x17: {  	s4 =	simm.s32 $0x1BF5;
	[smem:$0x3FB2] =	sst s0  }
0x18: {  	s0 =	sld [smem:$0x3F95];
	_ =	swait.ge [sflag:s4], $0x0  }
0x19: {  	s7 =	sld [smem:$0x3F96]  }
0x1a: {  	s8 =	sadd.s32 $0xFFFFE003, lr  }
0x1b: {  	s9 =	sadd.s32 $0xFFFFFEF7, lr;
	s5 =	simm.s32 $0xFFFFFFFF;
	p2 =	slt.u32 s8, $0xFFFFF086  }
0x1c: {  	p1 =	slt.u32 s9, $0xF7A;
	s5 =	simm.s32 @!p2 $0x0  }
0x1d: {  	s5 =	simm.s32 @p1 $0x1;
	p0 =	seq.s32 s7, s2  }
0x1e: {  	s7 =	smul.u32 @!p0 $0xF7A, s2;
	p2 =	seq.s32 @!p0 s5, $0x0  }
0x1f: {  	s9 =	smul.u32 $0xF7A, s1;
	s8 =	simm.s32 @!p0 $0x1BF5;
	p2 =	por !p2, p0  }
0x20: {  	[sflag:s8] =	ssyncset.s32 @!p0 $0xFFFFF086;
	s6 =	sadd.s32 @!p0 s3, s7;
	s7 =	simm.s32 @!p0 $0x108  }
0x21: {  	s3 =	sadd.s32 s3, s9;
	s6 =	sadd.s32 @!p0 $0x88, s6;
	s7 =	simm.s32 @p2 $0x1082  }
0x22: {  	[simem:s7], [sflag:s8] =	dma.local @!p0 [hbm:s6], $0xF7A  }
0x23: {  	s9 =	sor.u32 $0xD0000000, s2;
	s6 =	simm.s32 $0x108;
	_ =	swait.ge @!p0 [sflag:s8], $0x0  }
0x24: {  	s3 =	sadd.s32 $0x88, s3;
	s6 =	simm.s32 @!p1 $0x1082;
	[sflag:s4] =	ssyncset.s32 $0xFFFFF086  }
0x25: {  	[simem:s6], [sflag:s4] =	dma.local [hbm:s3], $0xF7A  }
0x26: {  	[smem:$0x3F96] =	sst s1;
	(tag) =	ssettag s2;
	_ =	strace s9  }
0x27: {  	s1 =	sld [smem:$0x3FA6]  }
0x28: {  	s2 =	sld [smem:$0x3FA7]  }
0x29: {  	s4 =	sld [smem:$0x3FA9]  }
0x2a: {  	p0 =	seq.s32 s5, $0x0;
	s5 =	sld [smem:$0x3FAA]  }
0x2b: {  	s6 =	sld [smem:$0x3FAB]  }
0x2c: {  	s7 =	sld [smem:$0x3FAC]  }
0x2d: {  	s3 =	simm.s32 $0x108;
	s8 =	sld [smem:$0x3FAD]  }
0x2e: {  	s3 =	simm.s32 @!p0 $0x1082;
	s9 =	sld [smem:$0x3FAE]  }
0x2f: {  	lr =	sadd.s32 s0, s3;
	s0 =	sld [smem:$0x3FA5]  }
0x30: {  	s3 =	sld [smem:$0x3FA8]  }
0x31: {  	[smem:$0x3FB1] =	sst s10  }
0x32: {  	s10 =	sld [smem:$0x3FAF];
	_ =	sdelay $0x3  }
0x33: {  	p0 =	seq.s32 s10, $0x1;
	s10 =	sld [smem:$0x3FB1];
	_ =	sdelay $0x3  }
0x34: {  	[smem:$0x3FB1] =	sst s10  }
0x35: {  	s10 =	sld [smem:$0x3FB0];
	_ =	sdelay $0x3  }
0x36: {  	p1 =	seq.s32 s10, $0x1;
	s10 =	sld [smem:$0x3FB1];
	_ =	sdelay $0x3  }
0x37: {  	[smem:$0x3FB1] =	sst s10  }
0x38: {  	s10 =	sld [smem:$0x3FB2]  }
0x39: {  	_ = 	snop;
	(pc) =	sbr.ind lr, $3  }
0x3a: {  	_ = 	snop  }
0x3b: {  	_ = 	snop  }
0x3c: {  	p2 =	seq.s32 s10, $0x1;
	s10 =	sld [smem:$0x3FB1]  }
0x3d: {  	_ =	shalt  }
0x3e: {  	_ =	shalt  }
0x3f: {  	_ =	shalt  }
0x40: {  	_ =	shalt  }
0x41: {  	_ =	shalt  }
0x42: {  	_ =	shalt  }
0x43: {  	_ =	shalt  }
0x44: {  	_ =	shalt  }
0x45: {  	_ =	shalt  }
0x46: {  	_ =	shalt  }
0x47: {  	_ =	shalt  }
0x48: {  	_ =	shalt  }
0x49: {  	_ =	shalt  }
0x4a: {  	_ =	shalt  }
0x4b: {  	_ =	shalt  }
0x4c: {  	_ =	shalt  }
0x4d: {  	_ =	shalt  }
0x4e: {  	_ =	shalt  }
0x4f: {  	_ =	shalt  }
0x50: {  	_ =	shalt  }
0x51: {  	_ =	shalt  }
0x52: {  	_ =	shalt  }
0x53: {  	_ =	shalt  }
0x54: {  	_ =	shalt  }
0x55: {  	_ =	shalt  }
0x56: {  	_ =	shalt  }
0x57: {  	_ =	shalt  }
0x58: {  	_ =	shalt  }
0x59: {  	_ =	shalt  }
0x5a: {  	_ =	shalt  }
0x5b: {  	_ =	shalt  }
0x5c: {  	_ =	shalt  }
0x5d: {  	_ =	shalt  }
0x5e: {  	_ =	shalt  }
0x5f: {  	_ =	shalt  }
0x60: {  	_ =	shalt  }
0x61: {  	_ =	shalt  }
0x62: {  	_ =	shalt  }
0x63: {  	_ =	shalt  }
0x64: {  	_ =	shalt  }
0x65: {  	_ =	shalt  }
0x66: {  	_ =	shalt  }
0x67: {  	_ =	shalt  }
0x68: {  	_ =	shalt  }
0x69: {  	_ =	shalt  }
0x6a: {  	_ =	shalt  }
0x6b: {  	_ =	shalt  }
0x6c: {  	_ =	shalt  }
0x6d: {  	_ =	shalt  }
0x6e: {  	_ =	shalt  }
0x6f: {  	_ =	shalt  }
0x70: {  	_ =	shalt  }
0x71: {  	_ =	shalt  }
0x72: {  	_ =	shalt  }
0x73: {  	_ =	shalt  }
0x74: {  	_ =	shalt  }
0x75: {  	_ =	shalt  }
0x76: {  	_ =	shalt  }
0x77: {  	_ =	shalt  }
0x78: {  	_ =	shalt  }
0x79: {  	_ =	shalt  }
0x7a: {  	_ =	shalt  }
0x7b: {  	_ =	shalt  }
0x7c: {  	_ =	shalt  }
0x7d: {  	_ =	shalt  }
0x7e: {  	_ =	shalt  }
0x7f: {  	_ =	shalt  }
0x80: {  	_ =	shalt  }
0x81: {  	_ =	shalt  }
0x82: {  	_ =	shalt  }
0x83: {  	_ =	shalt  }
0x84: {  	_ =	shalt  }
0x85: {  	_ =	shalt  }
0x86: {  	_ =	shalt  }
0x87: {  	_ =	shalt  }
.Lfunc_end0:
.L_simem_size_0:
called_computation.2_lowered:
.L_overlay_start_0:
0x88: {  	s2 =	sld [smem:$0x3FD9]  }
0x89: {  	s3 =	sld [smem:$0x3FFE];
	_ =	sdelay $0x1  }
0x8a: {  	s1 =	srdreg.scid  }
0x8b: {  	s0 =	sand.u32 $0x1, s1  }
0x8c: {  	s16 =	sshll.u32 s0, $0xA;
	s2 =	sadd.s32 s3, s2  }
0x8d: {  	s2 =	sadd.s32 s2, s16  }
0x8e: {  	[smem:$0x3FBD] =	sst s2  }
0x8f: {  	_ = 	snop  }
0x90: {  	(tm) =	ssettm $0x1  }
0x91: {  	s17 =	sld [smem:$0x3FFB];
	_ =	sdelay $0x3  }
0x92: {  	_ =	strace s17  }
0x93: {  	s2 =	sld [smem:$0x3FFC];
	_ =	sdelay $0x3  }
0x94: {  	_ =	strace s2  }
0x95: {  	s2 =	sld [smem:$0x3FFD];
	_ =	sdelay $0x3  }
0x96: {  	_ =	strace s2  }
0x97: {  	_ =	strace $0x8FFFFFFF  }
0x98: {  	s18 =	sld [smem:$0x3FDB];
	_ =	sdelay $0x1  }
0x99: {  	s19 =	simm.s32 $_scs_section_size  }
0x9a: {  	s4 =	simm.s32 $_size__tile_overlayer_lowered;
	s5 =	simm.s32 $_tile_overlayer_lowered  }
0x9b: {  	s22 =	simm.s32 $0x1BFF;
	s21 =	sshll.u32 s5, $0x1;
	s2 =	sadd.s32 s19, s18  }
0x9c: {  	s6 =	simm.s32 $0x0;
	s20 =	sshll.u32 s4, $0x1;
	s4 =	sadd.s32 s21, s2  }
0x9d: {  	[timem:s6], [sflag:s22] =	dma.local [hbm:s4], s20  }
0x9e: {  	_ =	swait.ge [sflag:s22], s20  }
0x9f: {  	s3 =	ssub.s32 $0x0, s20;
	[sflag:s22] =	ssyncset.done $0x0  }
0xa0: {  	[sflag:s22] =	ssyncadd.s32 s3;
	_ =	sdelay $0x1  }
0xa1: {  	s23 =	simm.s32 $0x1B8B  }
0xa2: {  	_ =	swait.ge [sflag:s23], $0x1  }
0xa3: {  	[sflag:s23] =	ssyncset.done $0x0  }
0xa4: {  	s25 =	simm.s32 $0x1B8E;
	s24 =	sld [smem:$0x3FFE];
	[sflag:s23] =	ssyncadd.s32 $0xFFFFFFFF  }
0xa5: {  	s26 =	simm.s32 $execute0_lowered;
	[smem:$0x3FD2] =	sst s25  }
0xa6: {  	s4 =	sshll.u32 s26, $0x1;
	_ =	strace $0x8000004C;
	[dreg:$0x1] =	wrdreg $0xFFFFFFFF  }
0xa7: {  	s28 =	simm.s32 $_size_execute0_lowered;
	s2 =	sadd.s32 s2, s4;
	[dreg:$0x0] =	wrdreg $0x0  }
0xa8: {  	s4 =	sshll.u32 s28, $0x1;
	[dreg:$0x2] =	wrdreg s2  }
0xa9: {  	[dreg:$0x3] =	wrdreg s4  }
0xaa: {  	[dreg:$0x4] =	wrdreg $0xC0  }
0xab: {  	_ =	task [dreg:s6], $0x5FFFF  }
0xac: {  	[dreg:$0x1] =	wrdreg $0xFFFFFFFF  }
0xad: {  	[dreg:$0x0] =	wrdreg $0x60  }
0xae: {  	[dreg:$0x2] =	wrdreg s24  }
0xaf: {  	[dreg:$0x3] =	wrdreg $0x41000  }
0xb0: {  	[dreg:$0x4] =	wrdreg $0x9  }
0xb1: {  	_ =	task.clear_ibuf [dreg:s6], $0x5FFFF;
	_ =	strace $0x9000004C  }
0xb2: {  	s29 =	simm.s32 $0x9;
	_ =	strace $0x8000004E  }
0xb3: {  	_ =	swait.ge [sflag:s29], $0x1  }
0xb4: {  	[sflag:s29] =	ssyncadd.s32 $0xFFFFFFFF  }
0xb5: {  	_ =	strace $0x9000004E  }
0xb6: {  	_ =	sfence  }
0xb7: {  	s30 =	sld [smem:$0x0];
	_ =	sdelay $0x2  }
0xb8: {  	s31 =	sshll.u32 s1, $0xD;
	s1 =	sshrl.u32 s1, $0x2  }
0xb9: {  	s3 =	sand.u32 $0x4000, s31;
	s1 =	sadd.s32 s1, s30  }
0xba: {  	s0 =	sor.u32 s3, s0;
	s1 =	sshll.u32 s1, $0x11  }
0xbb: {  	s0 =	sor.u32 s1, s0  }
0xbc: {  	s0 =	sadd.s32 $0x8F2B, s0  }
0xbd: {  	[sflag:s0] =	ssyncadd.remote.s32 $0x1  }
0xbe: {  	_ =	sfence.sel $0xFFFF  }
0xbf: {  	[dreg:$0x0] =	wrdreg $0xFFFFFFFF;
	(pc) =	sbr.abs _section_cstart, $3  }
0xc0: {  	[dreg:$0x1] =	wrdreg $0xFFFFFFFF  }
0xc1: {  	_ =	task.clear_ibuf [dreg:s6], $0x2FFFF;
	_ =	strace $0x9FFFFFFF  }
0xc2: {  	(tm) =	ssettm $0x7FFFFFFF  }
0xc3: {  	_ =	shalt  }
tec
execute0_lowered:
.L_overlay_start_1:
0x0: {  	(tag) =	ssettag $0x1  }
0x1: {  	s5 =	rddreg [dreg:$0x0];
	s0 =	srdreg.scid  }
0x2: {  	s2 =	rddreg [dreg:$0x1];
	s1 =	stileid.u32;
	s3 =	simm.s32 $0x0  }
0x3: {  	s13 =	simm.s32 $0x80;
	s14 =	simm.s32 $0x100;
	s8 =	smul.u32 $0x2780, s1  }
0x4: {  	s15 =	simm.s32 $0x1;
	s16 =	simm.s32 $0x0;
	s26 =	smul.u32 $0x4F000, s1  }
0x5: {  	s6 =	sand.u32 $0x1, s0;
	s0 =	rddreg [dreg:$0x2];
	s30 =	smul.u32 $0x4F0, s1  }
0x6: {  	[smem:$0x7FF] =	sst s3;
	s4 =	sadd.s32 $0x40000, s5;
	s7 =	smul.u32 $0x4F00, s6  }
0x7: {  	s31 =	sshll.u32 s1, $0x6;
	s9 =	smul.u32 $0x27800, s6;
	s6 =	ssub.s32 $0x2, s6  }
0x8: {  	_ =	strace $0x8000004D;
	s28 =	sshrl.u32 s6, $0x1;
	s29 =	sshrl.u32 s26, $0x2  }
0x9: {  	s10 =	sadd.s32 s7, s5;
	s25 =	sadd.s32 s8, s9;
	s8 =	sadd.s32 s8, s5  }
0xa: {  	s11 =	ssub.s32 s6, s28;
	s12 =	sadd.s32 s29, s2;
	s6 =	sor.u32 $0x1C02, s31  }
0xb: {  	s7 =	sadd.s32 s25, s5;
	s5 =	sadd.s32 $0x18800, s8;
	s10 =	sadd.s32 s30, s10  }
0xc: {  	s8 =	smax.u32 s11, $0x1;
	s11 =	sshrl.u32 s12, $0x3;
	s12 =	simm.s32 $0x2  }
0xd: {  	s7 =	sadd.s32 $0x8E400, s7;
	s9 =	sadd.s32 $0xEA00, s10;
	s10 =	sadd.s32 $0x4C00, s10  }
.LBB2_1:
0xe: {  	[spmem:s11], [sflag:s6] =	dma.local [hbm:s5], $0x2780  }
0xf: {  	_ =	swait.ge [sflag:s12], $0x2780  }
0x10: {  	[sflag:s12] =	ssyncset.done $0x0  }
0x11: {  	[sflag:s12] =	ssyncadd.s32 $0xFFFFD880  }
0x12: {  	s17 =	sadd.s32 $0x0, s10;
	[bflag:$0x0] =	sbarrier.arrive $0xFFFF  }
0x13: {  	[tilespmem:s3], [sflag:$0x2] =	stream.linear.gather [hbm4b:s17+s3], $0x80, $0x38;
	[tilespmem:$0x17D00] =	vst v63  }
0x14: {  	_ =	swait.ge [sflag:s12], $0x80  }
0x15: {  	[sflag:s12] =	ssyncset.done $0x0  }
0x16: {  	s31 =	sadd.s32 $0x0, s9;
	[sflag:s12] =	ssyncadd.s32 $0xFFFFFF80  }
0x17: {  	[tilespmem:s13], [sflag:$0x2] =	stream.linear.gather [hbm4b:s31+s3], $0x80, $0x38;
	[tilespmem:$0x17D00] =	vst v63  }
0x18: {  	_ =	swait.ge [sflag:s12], $0x80  }
0x19: {  	[sflag:s12] =	ssyncset.done $0x0  }
0x1a: {  	[sflag:s12] =	ssyncadd.s32 $0xFFFFFF80  }
0x1b: {  	[tilespmem:s14], [sflag:$0x1] =	stream.indirect.gather [hbm4b:s4+s13], $0x80, s3, s13, $0xb8;
	[tilespmem:$0x17D00] =	vst v63  }
0x1c: {  	_ =	swait.ge [sflag:s15], $0x4000  }
0x1d: {  	[sflag:s15] =	ssyncset.done $0x0  }
0x1e: {  	[sflag:s15] =	ssyncadd.s32 $0xFFFFC000  }
0x1f: {  	[spmem:s2] =	stream.indirect.scatter.add.f32 [tilespmem:s14], [sflag:$0x2], $0x80, s13, s13, $0xb8;
	[tilespmem:$0x17D00] =	vst v63  }
0x20: {  	_ =	swait.ge [sflag:s12], $0x4000  }
0x21: {  	s18 =	simm.s32 $0x20;
	s17 =	simm.s32 $0x10;
	[sflag:s12] =	ssyncset.done $0x0  }
.LBB2_2:
0x22: {  	s19 =	sadd.s32 s17, s10  }
0x23: {  	[sflag:s12] =	ssyncadd.s32 $0xFFFFC000;
	s20 =	smov.u32 s18;
	s21 =	sadd.s32 $0x10, s18  }
0x24: {  	[tilespmem:s3], [sflag:$0x2] =	stream.linear.gather [hbm4b:s19+s3], $0x80, $0x38;
	[tilespmem:$0x17D00] =	vst v63  }
0x25: {  	p0 =	sne.s32 s18, $0x4E0;
	_ =	swait.ge [sflag:s12], $0x80  }
0x26: {  	[sflag:s12] =	ssyncset.done $0x0  }
0x27: {  	s18 =	sadd.s32 s17, s9;
	s17 =	smov.u32 s20;
	[sflag:s12] =	ssyncadd.s32 $0xFFFFFF80  }
0x28: {  	[tilespmem:s13], [sflag:$0x2] =	stream.linear.gather [hbm4b:s18+s3], $0x80, $0x38;
	[tilespmem:$0x17D00] =	vst v63  }
0x29: {  	_ =	swait.ge [sflag:s12], $0x80  }
0x2a: {  	[sflag:s12] =	ssyncset.done $0x0  }
0x2b: {  	[sflag:s12] =	ssyncadd.s32 $0xFFFFFF80  }
0x2c: {  	[tilespmem:s14], [sflag:$0x1] =	stream.indirect.gather [hbm4b:s4+s13], $0x80, s3, s13, $0xb8;
	[tilespmem:$0x17D00] =	vst v63  }
0x2d: {  	_ =	swait.ge [sflag:s15], $0x4000  }
.Ltmp0:
0x2e: {  	[sflag:s15] =	ssyncset.done $0x0;
	(pc) =	sbr.rel @p0 .LBB2_2-.Ltmp0, $4  }
0x2f: {  	[sflag:s15] =	ssyncadd.s32 $0xFFFFC000  }
0x30: {  	[spmem:s2] =	stream.indirect.scatter.add.f32 [tilespmem:s14], [sflag:$0x2], $0x80, s13, s13, $0xb8;
	[tilespmem:$0x17D00] =	vst v63  }
0x31: {  	_ =	swait.ge [sflag:s12], $0x4000  }
0x32: {  	s18 =	smov.u32 s21;
	[sflag:s12] =	ssyncset.done $0x0  }
0x33: {  	s18 =	sadd.s32 s17, s10;
	[sflag:s12] =	ssyncadd.s32 $0xFFFFC000  }
0x34: {  	[tilespmem:s3], [sflag:$0x2] =	stream.linear.gather [hbm4b:s18+s3], $0x80, $0x38;
	[tilespmem:$0x17D00] =	vst v63  }
0x35: {  	_ =	swait.ge [sflag:s12], $0x80  }
0x36: {  	[sflag:s12] =	ssyncset.done $0x0  }
0x37: {  	s31 =	sadd.s32 s17, s9;
	[sflag:s12] =	ssyncadd.s32 $0xFFFFFF80  }
0x38: {  	[tilespmem:s13], [sflag:$0x2] =	stream.linear.gather [hbm4b:s31+s3], $0x80, $0x38;
	[tilespmem:$0x17D00] =	vst v63  }
0x39: {  	_ =	swait.ge [sflag:s12], $0x80  }
0x3a: {  	[sflag:s12] =	ssyncset.done $0x0  }
0x3b: {  	[sflag:s12] =	ssyncadd.s32 $0xFFFFFF80  }
0x3c: {  	[tilespmem:s14], [sflag:$0x1] =	stream.indirect.gather [hbm4b:s4+s13], $0x80, s3, s13, $0xb8;
	[tilespmem:$0x17D00] =	vst v63  }
0x3d: {  	_ =	swait.ge [sflag:s15], $0x4000  }
0x3e: {  	[sflag:s15] =	ssyncset.done $0x0  }
0x3f: {  	[sflag:s15] =	ssyncadd.s32 $0xFFFFC000  }
0x40: {  	[spmem:s2] =	stream.indirect.scatter.add.f32 [tilespmem:s14], [sflag:$0x2], $0x80, s13, s13, $0xb8;
	[tilespmem:$0x17D00] =	vst v63  }
0x41: {  	_ =	swait.ge [sflag:s12], $0x4000  }
0x42: {  	s16 =	sadd.s32 $0x1, s16;
	[sflag:s12] =	ssyncset.done $0x0  }
0x43: {  	p0 =	sne.s32 s16, s8;
	[sflag:s12] =	ssyncadd.s32 $0xFFFFC000  }
.Ltmp1:
0x44: {  	[bflag:$0x0] =	sbarrier.arrive $0xFFFF;
	(pc) =	sbr.rel @p0 .LBB2_1-.Ltmp1, $4  }
0x45: {  	[hbm:s7], [sflag:s6] =	dma.local [spmem:s11], $0x2780  }
0x46: {  	_ =	swait.ge [sflag:s12], $0x2780  }
0x47: {  	[sflag:s12] =	ssyncset.done $0x0  }
0x48: {  	[sflag:s12] =	ssyncadd.s32 $0xFFFFD880  }
0x49: {  	_ =	sfence.sel $0x180000  }
0x4a: {  	[bflag:$0x0] =	sbarrier.arrive $0xFFFF  }
0x4b: {  	p0 =	sne.s32 s1, $0x0;
	_ =	strace $0x9000004D  }
0x4c: {  	s0 =	sadd.s32 @!p0 $0x100000, s0;
	[bflag:$0x2] =	sbarrier.arrive $0xFFFF  }
0x4d: {  	[sflag:s0] =	ssyncadd.tile.s32 @!p0 $0x1;
	_ =	shalt  }
.Lfunc_end2:
_tile_overlayer_lowered:
.L_overlay_start_2:
0x4e: {  	(tag) =	ssettag $0x2  }
0x4f: {  	s0 =	rddreg [dreg:$0x0];
	s2 =	stileid.u32  }
0x50: {  	s1 =	rddreg [dreg:$0x1];
	p0 =	sne.s32 s2, $0x0  }
0x51: {  	s3 =	rddreg [dreg:$0x2];
	[bflag:$0x3] =	sbarrier.arrive $0xFFFF;
	s2 =	simm.s32 @!p0 $0x1C02  }
0x52: {  	[timem:s3], [sflag:s2] =	dma.local @!p0 [hbm:s0], s1  }
0x53: {  	s0 =	simm.s32 @!p0 $0x2  }
0x54: {  	_ =	swait.ge @!p0 [sflag:s0], s1  }
0x55: {  	s1 =	ssub.s32 @!p0 $0x0, s1;
	[sflag:s0] =	ssyncset.done @!p0 $0x0  }
0x56: {  	[sflag:s0] =	ssyncadd.s32 @!p0 s1  }
0x57: {  	[bflag:$0x3] =	sbarrier.arrive $0xFFFF  }
0x58: {  	_ =	shalt  }

// kernel: kernel.19.cloned.1.call-start
scs
__scs_entry_jumppad:
0x0: {  	(pc) =	sbr.rel $0x88, $3  }
0x1: {  	(tag) =	ssettag $0x0;
	lr =	simm.s32 $0x1  }
0x2: {  	[smem:$0x3F96] =	sst lr;
	_ =	strace $0xD0000000  }
0x3: {  	_ = 	snop  }
0x4: {  	_ = 	snop  }
0x5: {  	_ = 	snop  }
0x6: {  	_ = 	snop  }
0x7: {  	_ = 	snop  }
__scs_overlays_trampoline_lowered:
0x8: {  	[smem:$0x3FA5] =	sst s0  }
0x9: {  	[smem:$0x3FA6] =	sst s1  }
0xa: {  	[smem:$0x3FA7] =	sst s2  }
0xb: {  	[smem:$0x3FA8] =	sst s3  }
0xc: {  	[smem:$0x3FA9] =	sst s4  }
0xd: {  	[smem:$0x3FAA] =	sst s5  }
0xe: {  	[smem:$0x3FAB] =	sst s6  }
0xf: {  	[smem:$0x3FAC] =	sst s7  }
0x10: {  	[smem:$0x3FAD] =	sst s8  }
0x11: {  	[smem:$0x3FAE] =	sst s9;
	s0 =	simm.s32 @!p0 $0x0  }
0x12: {  	s1 =	sld [smem:$0x3F94];
	s0 =	simm.s32 @p0 $0x1  }
0x13: {  	[smem:$0x3FAF] =	sst s0;
	s0 =	simm.s32 @!p1 $0x0  }
0x14: {  	s2 =	sld [smem:$0x3F93];
	s0 =	simm.s32 @p1 $0x1  }
0x15: {  	[smem:$0x3FB0] =	sst s0;
	s0 =	simm.s32 @!p2 $0x0  }
0x16: {  	s3 =	sld [smem:$0x3FDB];
	s0 =	simm.s32 @p2 $0x1  }
0x17: {  	s4 =	simm.s32 $0x1BF5;
	[smem:$0x3FB2] =	sst s0  }
0x18: {  	s0 =	sld [smem:$0x3F95];
	_ =	swait.ge [sflag:s4], $0x0  }
0x19: {  	s7 =	sld [smem:$0x3F96]  }
0x1a: {  	s8 =	sadd.s32 $0xFFFFE003, lr  }
0x1b: {  	s9 =	sadd.s32 $0xFFFFFEF7, lr;
	s5 =	simm.s32 $0xFFFFFFFF;
	p2 =	slt.u32 s8, $0xFFFFF086  }
0x1c: {  	p1 =	slt.u32 s9, $0xF7A;
	s5 =	simm.s32 @!p2 $0x0  }
0x1d: {  	s5 =	simm.s32 @p1 $0x1;
	p0 =	seq.s32 s7, s2  }
0x1e: {  	s7 =	smul.u32 @!p0 $0xF7A, s2;
	p2 =	seq.s32 @!p0 s5, $0x0  }
0x1f: {  	s9 =	smul.u32 $0xF7A, s1;
	s8 =	simm.s32 @!p0 $0x1BF5;
	p2 =	por !p2, p0  }
0x20: {  	[sflag:s8] =	ssyncset.s32 @!p0 $0xFFFFF086;
	s6 =	sadd.s32 @!p0 s3, s7;
	s7 =	simm.s32 @!p0 $0x108  }
0x21: {  	s3 =	sadd.s32 s3, s9;
	s6 =	sadd.s32 @!p0 $0x88, s6;
	s7 =	simm.s32 @p2 $0x1082  }
0x22: {  	[simem:s7], [sflag:s8] =	dma.local @!p0 [hbm:s6], $0xF7A  }
0x23: {  	s9 =	sor.u32 $0xD0000000, s2;
	s6 =	simm.s32 $0x108;
	_ =	swait.ge @!p0 [sflag:s8], $0x0  }
0x24: {  	s3 =	sadd.s32 $0x88, s3;
	s6 =	simm.s32 @!p1 $0x1082;
	[sflag:s4] =	ssyncset.s32 $0xFFFFF086  }
0x25: {  	[simem:s6], [sflag:s4] =	dma.local [hbm:s3], $0xF7A  }
0x26: {  	[smem:$0x3F96] =	sst s1;
	(tag) =	ssettag s2;
	_ =	strace s9  }
0x27: {  	s1 =	sld [smem:$0x3FA6]  }
0x28: {  	s2 =	sld [smem:$0x3FA7]  }
0x29: {  	s4 =	sld [smem:$0x3FA9]  }
0x2a: {  	p0 =	seq.s32 s5, $0x0;
	s5 =	sld [smem:$0x3FAA]  }
0x2b: {  	s6 =	sld [smem:$0x3FAB]  }
0x2c: {  	s7 =	sld [smem:$0x3FAC]  }
0x2d: {  	s3 =	simm.s32 $0x108;
	s8 =	sld [smem:$0x3FAD]  }
0x2e: {  	s3 =	simm.s32 @!p0 $0x1082;
	s9 =	sld [smem:$0x3FAE]  }
0x2f: {  	lr =	sadd.s32 s0, s3;
	s0 =	sld [smem:$0x3FA5]  }
0x30: {  	s3 =	sld [smem:$0x3FA8]  }
0x31: {  	[smem:$0x3FB1] =	sst s10  }
0x32: {  	s10 =	sld [smem:$0x3FAF];
	_ =	sdelay $0x3  }
0x33: {  	p0 =	seq.s32 s10, $0x1;
	s10 =	sld [smem:$0x3FB1];
	_ =	sdelay $0x3  }
0x34: {  	[smem:$0x3FB1] =	sst s10  }
0x35: {  	s10 =	sld [smem:$0x3FB0];
	_ =	sdelay $0x3  }
0x36: {  	p1 =	seq.s32 s10, $0x1;
	s10 =	sld [smem:$0x3FB1];
	_ =	sdelay $0x3  }
0x37: {  	[smem:$0x3FB1] =	sst s10  }
0x38: {  	s10 =	sld [smem:$0x3FB2]  }
0x39: {  	_ = 	snop;
	(pc) =	sbr.ind lr, $3  }
0x3a: {  	_ = 	snop  }
0x3b: {  	_ = 	snop  }
0x3c: {  	p2 =	seq.s32 s10, $0x1;
	s10 =	sld [smem:$0x3FB1]  }
0x3d: {  	_ =	shalt  }
0x3e: {  	_ =	shalt  }
0x3f: {  	_ =	shalt  }
0x40: {  	_ =	shalt  }
0x41: {  	_ =	shalt  }
0x42: {  	_ =	shalt  }
0x43: {  	_ =	shalt  }
0x44: {  	_ =	shalt  }
0x45: {  	_ =	shalt  }
0x46: {  	_ =	shalt  }
0x47: {  	_ =	shalt  }
0x48: {  	_ =	shalt  }
0x49: {  	_ =	shalt  }
0x4a: {  	_ =	shalt  }
0x4b: {  	_ =	shalt  }
0x4c: {  	_ =	shalt  }
0x4d: {  	_ =	shalt  }
0x4e: {  	_ =	shalt  }
0x4f: {  	_ =	shalt  }
0x50: {  	_ =	shalt  }
0x51: {  	_ =	shalt  }
0x52: {  	_ =	shalt  }
0x53: {  	_ =	shalt  }
0x54: {  	_ =	shalt  }
0x55: {  	_ =	shalt  }
0x56: {  	_ =	shalt  }
0x57: {  	_ =	shalt  }
0x58: {  	_ =	shalt  }
0x59: {  	_ =	shalt  }
0x5a: {  	_ =	shalt  }
0x5b: {  	_ =	shalt  }
0x5c: {  	_ =	shalt  }
0x5d: {  	_ =	shalt  }
0x5e: {  	_ =	shalt  }
0x5f: {  	_ =	shalt  }
0x60: {  	_ =	shalt  }
0x61: {  	_ =	shalt  }
0x62: {  	_ =	shalt  }
0x63: {  	_ =	shalt  }
0x64: {  	_ =	shalt  }
0x65: {  	_ =	shalt  }
0x66: {  	_ =	shalt  }
0x67: {  	_ =	shalt  }
0x68: {  	_ =	shalt  }
0x69: {  	_ =	shalt  }
0x6a: {  	_ =	shalt  }
0x6b: {  	_ =	shalt  }
0x6c: {  	_ =	shalt  }
0x6d: {  	_ =	shalt  }
0x6e: {  	_ =	shalt  }
0x6f: {  	_ =	shalt  }
0x70: {  	_ =	shalt  }
0x71: {  	_ =	shalt  }
0x72: {  	_ =	shalt  }
0x73: {  	_ =	shalt  }
0x74: {  	_ =	shalt  }
0x75: {  	_ =	shalt  }
0x76: {  	_ =	shalt  }
0x77: {  	_ =	shalt  }
0x78: {  	_ =	shalt  }
0x79: {  	_ =	shalt  }
0x7a: {  	_ =	shalt  }
0x7b: {  	_ =	shalt  }
0x7c: {  	_ =	shalt  }
0x7d: {  	_ =	shalt  }
0x7e: {  	_ =	shalt  }
0x7f: {  	_ =	shalt  }
0x80: {  	_ =	shalt  }
0x81: {  	_ =	shalt  }
0x82: {  	_ =	shalt  }
0x83: {  	_ =	shalt  }
0x84: {  	_ =	shalt  }
0x85: {  	_ =	shalt  }
0x86: {  	_ =	shalt  }
0x87: {  	_ =	shalt  }
.Lfunc_end0:
.L_simem_size_0:
called_computation.3_lowered:
.L_overlay_start_0:
0x88: {  	s2 =	sld [smem:$0x3FD9]  }
0x89: {  	s3 =	sld [smem:$0x3FFE];
	_ =	sdelay $0x1  }
0x8a: {  	s1 =	srdreg.scid  }
0x8b: {  	s0 =	sand.u32 $0x1, s1  }
0x8c: {  	s16 =	sshll.u32 s0, $0xA;
	s2 =	sadd.s32 s3, s2  }
0x8d: {  	s2 =	sadd.s32 s2, s16  }
0x8e: {  	[smem:$0x3FBD] =	sst s2  }
0x8f: {  	_ = 	snop  }
0x90: {  	(tm) =	ssettm $0x1  }
0x91: {  	s17 =	sld [smem:$0x3FFB];
	_ =	sdelay $0x3  }
0x92: {  	_ =	strace s17  }
0x93: {  	s2 =	sld [smem:$0x3FFC];
	_ =	sdelay $0x3  }
0x94: {  	_ =	strace s2  }
0x95: {  	s2 =	sld [smem:$0x3FFD];
	_ =	sdelay $0x3  }
0x96: {  	_ =	strace s2  }
0x97: {  	_ =	strace $0x8FFFFFFF  }
0x98: {  	s18 =	sld [smem:$0x3FDB];
	_ =	sdelay $0x1  }
0x99: {  	s19 =	simm.s32 $_scs_section_size  }
0x9a: {  	s4 =	simm.s32 $_size__tile_overlayer_lowered;
	s5 =	simm.s32 $_tile_overlayer_lowered  }
0x9b: {  	s22 =	simm.s32 $0x1BFF;
	s21 =	sshll.u32 s5, $0x1;
	s2 =	sadd.s32 s19, s18  }
0x9c: {  	s6 =	simm.s32 $0x0;
	s20 =	sshll.u32 s4, $0x1;
	s4 =	sadd.s32 s21, s2  }
0x9d: {  	[timem:s6], [sflag:s22] =	dma.local [hbm:s4], s20  }
0x9e: {  	_ =	swait.ge [sflag:s22], s20  }
0x9f: {  	s3 =	ssub.s32 $0x0, s20;
	[sflag:s22] =	ssyncset.done $0x0  }
0xa0: {  	[sflag:s22] =	ssyncadd.s32 s3;
	_ =	sdelay $0x1  }
0xa1: {  	s23 =	simm.s32 $0x1B8B  }
0xa2: {  	_ =	swait.ge [sflag:s23], $0x1  }
0xa3: {  	[sflag:s23] =	ssyncset.done $0x0  }
0xa4: {  	s25 =	simm.s32 $0x1B8E;
	s24 =	sld [smem:$0x3FFE];
	[sflag:s23] =	ssyncadd.s32 $0xFFFFFFFF  }
0xa5: {  	s26 =	simm.s32 $execute0_lowered;
	[smem:$0x3FD2] =	sst s25  }
0xa6: {  	s4 =	sshll.u32 s26, $0x1;
	_ =	strace $0x8000004F;
	[dreg:$0x1] =	wrdreg $0xFFFFFFFF  }
0xa7: {  	s28 =	simm.s32 $_size_execute0_lowered;
	s2 =	sadd.s32 s2, s4;
	[dreg:$0x0] =	wrdreg $0x0  }
0xa8: {  	s4 =	sshll.u32 s28, $0x1;
	[dreg:$0x2] =	wrdreg s2  }
0xa9: {  	[dreg:$0x3] =	wrdreg s4  }
0xaa: {  	[dreg:$0x4] =	wrdreg $0xC0  }
0xab: {  	_ =	task [dreg:s6], $0x5FFFF  }
0xac: {  	[dreg:$0x1] =	wrdreg $0xFFFFFFFF  }
0xad: {  	[dreg:$0x0] =	wrdreg $0x60  }
0xae: {  	[dreg:$0x2] =	wrdreg s24  }
0xaf: {  	[dreg:$0x3] =	wrdreg $0x41000  }
0xb0: {  	[dreg:$0x4] =	wrdreg $0x9  }
0xb1: {  	_ =	task.clear_ibuf [dreg:s6], $0x5FFFF;
	_ =	strace $0x9000004F  }
0xb2: {  	s29 =	simm.s32 $0x9;
	_ =	strace $0x80000051  }
0xb3: {  	_ =	swait.ge [sflag:s29], $0x1  }
0xb4: {  	[sflag:s29] =	ssyncadd.s32 $0xFFFFFFFF  }
0xb5: {  	_ =	strace $0x90000051  }
0xb6: {  	_ =	sfence  }
0xb7: {  	s30 =	sld [smem:$0x0];
	_ =	sdelay $0x2  }
0xb8: {  	s31 =	sshll.u32 s1, $0xD;
	s1 =	sshrl.u32 s1, $0x2  }
0xb9: {  	s3 =	sand.u32 $0x4000, s31;
	s1 =	sadd.s32 s1, s30  }
0xba: {  	s0 =	sor.u32 s3, s0;
	s1 =	sshll.u32 s1, $0x11  }
0xbb: {  	s0 =	sor.u32 s1, s0  }
0xbc: {  	s0 =	sadd.s32 $0x8F2B, s0  }
0xbd: {  	[sflag:s0] =	ssyncadd.remote.s32 $0x1  }
0xbe: {  	_ =	sfence.sel $0xFFFF  }
0xbf: {  	[dreg:$0x0] =	wrdreg $0xFFFFFFFF;
	(pc) =	sbr.abs _section_cstart, $3  }
0xc0: {  	[dreg:$0x1] =	wrdreg $0xFFFFFFFF  }
0xc1: {  	_ =	task.clear_ibuf [dreg:s6], $0x2FFFF;
	_ =	strace $0x9FFFFFFF  }
0xc2: {  	(tm) =	ssettm $0x7FFFFFFF  }
0xc3: {  	_ =	shalt  }
tec
execute0_lowered:
.L_overlay_start_1:
0x0: {  	(tag) =	ssettag $0x1  }
0x1: {  	s5 =	rddreg [dreg:$0x0];
	s0 =	srdreg.scid  }
0x2: {  	s2 =	rddreg [dreg:$0x1];
	s1 =	stileid.u32;
	s3 =	simm.s32 $0x0  }
0x3: {  	s13 =	simm.s32 $0x80;
	s14 =	simm.s32 $0x100;
	s8 =	smul.u32 $0x2780, s1  }
0x4: {  	s15 =	simm.s32 $0x1;
	s16 =	simm.s32 $0x0;
	s26 =	smul.u32 $0x4F000, s1  }
0x5: {  	s6 =	sand.u32 $0x1, s0;
	s0 =	rddreg [dreg:$0x2];
	s30 =	smul.u32 $0x4F0, s1  }
0x6: {  	[smem:$0x7FF] =	sst s3;
	s4 =	sadd.s32 $0x40000, s5;
	s7 =	smul.u32 $0x4F00, s6  }
0x7: {  	s31 =	sshll.u32 s1, $0x6;
	s9 =	smul.u32 $0x27800, s6;
	s6 =	ssub.s32 $0x2, s6  }
0x8: {  	_ =	strace $0x80000050;
	s28 =	sshrl.u32 s6, $0x1;
	s29 =	sshrl.u32 s26, $0x2  }
0x9: {  	s10 =	sadd.s32 s7, s5;
	s25 =	sadd.s32 s8, s9;
	s8 =	sadd.s32 s8, s5  }
0xa: {  	s11 =	ssub.s32 s6, s28;
	s12 =	sadd.s32 s29, s2;
	s6 =	sor.u32 $0x1C02, s31  }
0xb: {  	s7 =	sadd.s32 s25, s5;
	s5 =	sadd.s32 $0x18800, s8;
	s10 =	sadd.s32 s30, s10  }
0xc: {  	s8 =	smax.u32 s11, $0x1;
	s11 =	sshrl.u32 s12, $0x3;
	s12 =	simm.s32 $0x2  }
0xd: {  	s7 =	sadd.s32 $0x8E400, s7;
	s9 =	sadd.s32 $0xEA00, s10;
	s10 =	sadd.s32 $0x4C00, s10  }
.LBB2_1:
0xe: {  	[spmem:s11], [sflag:s6] =	dma.local [hbm:s5], $0x2780  }
0xf: {  	_ =	swait.ge [sflag:s12], $0x2780  }
0x10: {  	[sflag:s12] =	ssyncset.done $0x0  }
0x11: {  	[sflag:s12] =	ssyncadd.s32 $0xFFFFD880  }
0x12: {  	s17 =	sadd.s32 $0x0, s10;
	[bflag:$0x0] =	sbarrier.arrive $0xFFFF  }
0x13: {  	[tilespmem:s3], [sflag:$0x2] =	stream.linear.gather [hbm4b:s17+s3], $0x80, $0x38;
	[tilespmem:$0x17D00] =	vst v63  }
0x14: {  	_ =	swait.ge [sflag:s12], $0x80  }
0x15: {  	[sflag:s12] =	ssyncset.done $0x0  }
0x16: {  	s31 =	sadd.s32 $0x0, s9;
	[sflag:s12] =	ssyncadd.s32 $0xFFFFFF80  }
0x17: {  	[tilespmem:s13], [sflag:$0x2] =	stream.linear.gather [hbm4b:s31+s3], $0x80, $0x38;
	[tilespmem:$0x17D00] =	vst v63  }
0x18: {  	_ =	swait.ge [sflag:s12], $0x80  }
0x19: {  	[sflag:s12] =	ssyncset.done $0x0  }
0x1a: {  	[sflag:s12] =	ssyncadd.s32 $0xFFFFFF80  }
0x1b: {  	[tilespmem:s14], [sflag:$0x1] =	stream.indirect.gather [hbm4b:s4+s13], $0x80, s3, s13, $0xb8;
	[tilespmem:$0x17D00] =	vst v63  }
0x1c: {  	_ =	swait.ge [sflag:s15], $0x4000  }
0x1d: {  	[sflag:s15] =	ssyncset.done $0x0  }
0x1e: {  	[sflag:s15] =	ssyncadd.s32 $0xFFFFC000  }
0x1f: {  	[spmem:s2] =	stream.indirect.scatter.add.f32 [tilespmem:s14], [sflag:$0x2], $0x80, s13, s13, $0xb8;
	[tilespmem:$0x17D00] =	vst v63  }
0x20: {  	_ =	swait.ge [sflag:s12], $0x4000  }
0x21: {  	s18 =	simm.s32 $0x20;
	s17 =	simm.s32 $0x10;
	[sflag:s12] =	ssyncset.done $0x0  }
.LBB2_2:
0x22: {  	s19 =	sadd.s32 s17, s10  }
0x23: {  	[sflag:s12] =	ssyncadd.s32 $0xFFFFC000;
	s20 =	smov.u32 s18;
	s21 =	sadd.s32 $0x10, s18  }
0x24: {  	[tilespmem:s3], [sflag:$0x2] =	stream.linear.gather [hbm4b:s19+s3], $0x80, $0x38;
	[tilespmem:$0x17D00] =	vst v63  }
0x25: {  	p0 =	sne.s32 s18, $0x4E0;
	_ =	swait.ge [sflag:s12], $0x80  }
0x26: {  	[sflag:s12] =	ssyncset.done $0x0  }
0x27: {  	s18 =	sadd.s32 s17, s9;
	s17 =	smov.u32 s20;
	[sflag:s12] =	ssyncadd.s32 $0xFFFFFF80  }
0x28: {  	[tilespmem:s13], [sflag:$0x2] =	stream.linear.gather [hbm4b:s18+s3], $0x80, $0x38;
	[tilespmem:$0x17D00] =	vst v63  }
0x29: {  	_ =	swait.ge [sflag:s12], $0x80  }
0x2a: {  	[sflag:s12] =	ssyncset.done $0x0  }
0x2b: {  	[sflag:s12] =	ssyncadd.s32 $0xFFFFFF80  }
0x2c: {  	[tilespmem:s14], [sflag:$0x1] =	stream.indirect.gather [hbm4b:s4+s13], $0x80, s3, s13, $0xb8;
	[tilespmem:$0x17D00] =	vst v63  }
0x2d: {  	_ =	swait.ge [sflag:s15], $0x4000  }
.Ltmp0:
0x2e: {  	[sflag:s15] =	ssyncset.done $0x0;
	(pc) =	sbr.rel @p0 .LBB2_2-.Ltmp0, $4  }
0x2f: {  	[sflag:s15] =	ssyncadd.s32 $0xFFFFC000  }
0x30: {  	[spmem:s2] =	stream.indirect.scatter.add.f32 [tilespmem:s14], [sflag:$0x2], $0x80, s13, s13, $0xb8;
	[tilespmem:$0x17D00] =	vst v63  }
0x31: {  	_ =	swait.ge [sflag:s12], $0x4000  }
0x32: {  	s18 =	smov.u32 s21;
	[sflag:s12] =	ssyncset.done $0x0  }
0x33: {  	s18 =	sadd.s32 s17, s10;
	[sflag:s12] =	ssyncadd.s32 $0xFFFFC000  }
0x34: {  	[tilespmem:s3], [sflag:$0x2] =	stream.linear.gather [hbm4b:s18+s3], $0x80, $0x38;
	[tilespmem:$0x17D00] =	vst v63  }
0x35: {  	_ =	swait.ge [sflag:s12], $0x80  }
0x36: {  	[sflag:s12] =	ssyncset.done $0x0  }
0x37: {  	s31 =	sadd.s32 s17, s9;
	[sflag:s12] =	ssyncadd.s32 $0xFFFFFF80  }
0x38: {  	[tilespmem:s13], [sflag:$0x2] =	stream.linear.gather [hbm4b:s31+s3], $0x80, $0x38;
	[tilespmem:$0x17D00] =	vst v63  }
0x39: {  	_ =	swait.ge [sflag:s12], $0x80  }
0x3a: {  	[sflag:s12] =	ssyncset.done $0x0  }
0x3b: {  	[sflag:s12] =	ssyncadd.s32 $0xFFFFFF80  }
0x3c: {  	[tilespmem:s14], [sflag:$0x1] =	stream.indirect.gather [hbm4b:s4+s13], $0x80, s3, s13, $0xb8;
	[tilespmem:$0x17D00] =	vst v63  }
0x3d: {  	_ =	swait.ge [sflag:s15], $0x4000  }
0x3e: {  	[sflag:s15] =	ssyncset.done $0x0  }
0x3f: {  	[sflag:s15] =	ssyncadd.s32 $0xFFFFC000  }
0x40: {  	[spmem:s2] =	stream.indirect.scatter.add.f32 [tilespmem:s14], [sflag:$0x2], $0x80, s13, s13, $0xb8;
	[tilespmem:$0x17D00] =	vst v63  }
0x41: {  	_ =	swait.ge [sflag:s12], $0x4000  }
0x42: {  	s16 =	sadd.s32 $0x1, s16;
	[sflag:s12] =	ssyncset.done $0x0  }
0x43: {  	p0 =	sne.s32 s16, s8;
	[sflag:s12] =	ssyncadd.s32 $0xFFFFC000  }
.Ltmp1:
0x44: {  	[bflag:$0x0] =	sbarrier.arrive $0xFFFF;
	(pc) =	sbr.rel @p0 .LBB2_1-.Ltmp1, $4  }
0x45: {  	[hbm:s7], [sflag:s6] =	dma.local [spmem:s11], $0x2780  }
0x46: {  	_ =	swait.ge [sflag:s12], $0x2780  }
0x47: {  	[sflag:s12] =	ssyncset.done $0x0  }
0x48: {  	[sflag:s12] =	ssyncadd.s32 $0xFFFFD880  }
0x49: {  	_ =	sfence.sel $0x180000  }
0x4a: {  	[bflag:$0x0] =	sbarrier.arrive $0xFFFF  }
0x4b: {  	p0 =	sne.s32 s1, $0x0;
	_ =	strace $0x90000050  }
0x4c: {  	s0 =	sadd.s32 @!p0 $0x100000, s0;
	[bflag:$0x2] =	sbarrier.arrive $0xFFFF  }
0x4d: {  	[sflag:s0] =	ssyncadd.tile.s32 @!p0 $0x1;
	_ =	shalt  }
.Lfunc_end2:
_tile_overlayer_lowered:
.L_overlay_start_2:
0x4e: {  	(tag) =	ssettag $0x2  }
0x4f: {  	s0 =	rddreg [dreg:$0x0];
	s2 =	stileid.u32  }
0x50: {  	s1 =	rddreg [dreg:$0x1];
	p0 =	sne.s32 s2, $0x0  }
0x51: {  	s3 =	rddreg [dreg:$0x2];
	[bflag:$0x3] =	sbarrier.arrive $0xFFFF;
	s2 =	simm.s32 @!p0 $0x1C02  }
0x52: {  	[timem:s3], [sflag:s2] =	dma.local @!p0 [hbm:s0], s1  }
0x53: {  	s0 =	simm.s32 @!p0 $0x2  }
0x54: {  	_ =	swait.ge @!p0 [sflag:s0], s1  }
0x55: {  	s1 =	ssub.s32 @!p0 $0x0, s1;
	[sflag:s0] =	ssyncset.done @!p0 $0x0  }
0x56: {  	[sflag:s0] =	ssyncadd.s32 @!p0 s1  }
0x57: {  	[bflag:$0x3] =	sbarrier.arrive $0xFFFF  }
0x58: {  	_ =	shalt  }

</sc_bundles>
